<compile_context>
chip_gen: v7x
topology: tpu7x:2x2x1
jax: 0.10.2.dev20260603
libtpu: 0.0.44.dev20260713+nightly
codegen_flags: <defaults>
</compile_context>

<pallas_src>
import functools

import jax
import jax.numpy as jnp
from jax import lax
from jax.experimental import pallas as pl
from jax.experimental.pallas import tpu as pltpu
from jax.experimental.pallas import tpu_sc as plsc

_B, _L = 4096, 200
_V, _Din, _Dout = 500, 100, 30
_N = _B * _L

_NC, _NS = 2, 16
_NW = _NC * _NS
_PER_W = _N // _NW
_CH = 128
_NCH = _PER_W // _CH
_SUP = 10
_BIG = _SUP * _CH
_NSUP = _PER_W // _BIG

_VP, _DinP, _DoutP, _TW = 512, 128, 32, 128


def _table_body(emb_ref, wt_ref, b_ref, out_ref):
    acc = lax.dot_general(
        emb_ref[...], wt_ref[...],
        (((1,), (0,)), ((), ())),
        preferred_element_type=jnp.float32,
    )
    out_ref[...] = jnp.tanh(acc + b_ref[...])


def _make_table(emb, W, b):
    emb_p = jnp.zeros((_VP, _DinP), jnp.float32).at[:_V, :_Din].set(emb)
    wt_p = jnp.zeros((_DinP, _DoutP), jnp.float32).at[:_Din, :_Dout].set(W.T)
    b_p = jnp.zeros((1, _DoutP), jnp.float32).at[0, :_Dout].set(b)
    return pl.pallas_call(
        _table_body,
        out_shape=jax.ShapeDtypeStruct((_VP, _DoutP), jnp.float32),
    )(emb_p, wt_p, b_p)


@functools.partial(
    pl.kernel,
    out_type=jax.ShapeDtypeStruct((_N, _TW), jnp.float32),
    mesh=plsc.VectorSubcoreMesh(core_axis_name="c", subcore_axis_name="s"),
    compiler_params=pltpu.CompilerParams(use_tc_tiling_on_sc=False),
    scratch_types=[
        pltpu.VMEM((_NCH, _CH), jnp.int32),
        pltpu.VMEM((_BIG, _DoutP), jnp.float32),
        pltpu.VMEM((_BIG, _DoutP), jnp.float32),
        pltpu.VMEM_SHARED((_VP, _DoutP), jnp.float32),
        pltpu.SemaphoreType.DMA,
        pltpu.SemaphoreType.DMA,
    ],
)
def _gather(table_hbm, idx_hbm, out_hbm, idx_v, rows_a, rows_b, tab_s,
            sem_a, sem_b):
    sid = lax.axis_index("s")
    wid = sid * _NC + lax.axis_index("c")
    base = wid * _PER_W

    @pl.when(sid == 0)
    def _():
        pltpu.sync_copy(table_hbm, tab_s)
    plsc.subcore_barrier()
    pltpu.sync_copy(idx_hbm.at[wid], idx_v)

    def fire(s, rows, sem):
        for j in range(_SUP):
            pltpu.async_copy(
                tab_s.at[idx_v.at[s * _SUP + j]],
                rows.at[pl.ds(j * _CH, _CH)], sem)

    def drain(rows, sem):
        pltpu.make_async_copy(out_hbm.at[pl.ds(0, _BIG), pl.ds(0, _DoutP)],
                              rows, sem).wait()

    def put(s, rows):
        pltpu.sync_copy(rows, out_hbm.at[pl.ds(base + s * _BIG, _BIG),
                                         pl.ds(0, _DoutP)])

    fire(0, rows_a, sem_a)

    @pl.loop(0, _NSUP, step=2)
    def _body(s):
        fire(s + 1, rows_b, sem_b)
        drain(rows_a, sem_a)
        put(s, rows_a)

        @pl.when(s + 2 < _NSUP)
        def _():
            fire(s + 2, rows_a, sem_a)

        drain(rows_b, sem_b)
        put(s + 1, rows_b)


def kernel(x, emb, W, b):
    table = _make_table(emb, W, b)
    idx = x.astype(jnp.int32).reshape(_NW, _NCH, _CH)
    out = _gather(table, idx)
    return out[:, :_Dout].reshape(_B, _L, _Dout)

# --- scband reference (transcript-rebuilt; emitter-appended) ---
"""Pipeline reference for scband-text-sumer-9895604650312 (READ-ONLY COPY).

The authoritative reference and input builder live on the scoring server;
editing this copy changes nothing except your own understanding.
"""

import jax, jax.numpy as jnp
import numpy as np


def setup_inputs(seed: int = 0) -> dict:
    key = jax.random.key(seed)
    k_x, k_emb, k_w, k_b = jax.random.split(key, 4)
    x = jax.random.randint(k_x, (4096, 200), 0, 500, dtype=jnp.int64)
    # nn.Embedding(500, 100): weights ~ N(0,1)
    emb = jax.random.normal(k_emb, (500, 100), dtype=jnp.float32)
    # nn.Linear(100, 30): kaiming-uniform-ish init
    bound = 1.0 / np.sqrt(100.0)
    W = jax.random.uniform(k_w, (30, 100), dtype=jnp.float32, minval=-bound, maxval=bound)
    b = jax.random.uniform(k_b, (30,), dtype=jnp.float32, minval=-bound, maxval=bound)
    return {"x": x, "emb": emb, "W": W, "b": b}


def reference(x, emb, W, b):
    # x = self.embedding(x)
    h = jnp.take(emb, x, axis=0)  # [B, L, 100]
    # x = self.linear(x)
    y = jnp.einsum('bld,od->blo', h, W) + b  # [B, L, 30]
    # x = self.tanh(x)
    return jnp.tanh(y)

if __name__ == "__main__":
    import jax
    _d = setup_inputs()
    print(jax.jit(kernel)(*tuple(_d.values())))

</pallas_src>

<mosaic_0001>
#map = affine_map<(d0, d1) -> (0, 0)>
#map1 = affine_map<(d0, d1) -> (0, 0, 0)>
module attributes {stable_mosaic.version = 14 : i64} {
  func.func @_gather(%arg0: i32, %arg1: i32, %arg2: memref<512x32xf32, #tpu.memory_space<hbm>>, %arg3: memref<32x200x128xi32, #tpu.memory_space<hbm>>, %arg4: memref<819200x128xf32, #tpu.memory_space<hbm>>, %arg5: memref<200x128xi32, #tpu.memory_space<vmem>>, %arg6: memref<1280x32xf32, #tpu.memory_space<vmem>>, %arg7: memref<1280x32xf32, #tpu.memory_space<vmem>>, %arg8: memref<512x32xf32, #tpu.memory_space<vmem_shared>>, %arg9: memref<!tpu.dma_semaphore, #tpu.memory_space<semaphore_mem>>, %arg10: memref<!tpu.dma_semaphore, #tpu.memory_space<semaphore_mem>>) attributes {dimension_semantics = [#tpu.dimension_semantics<core_parallel>, #tpu.dimension_semantics<subcore_parallel>], iteration_bounds = array<i64: 2, 16>, scalar_prefetch = 0 : i64, scratch_operands = 6 : i64, tpu.core_type = #tpu.core_type<sc_vector_subcore>, window_params = [{transform_indices = #map}, {transform_indices = #map1}, {transform_indices = #map}]} {
    %mul3A = arith.constant 2 : i32
    %mul3A_0 = arith.muli %arg1, %mul3A : i32
    %add3A = arith.addi %mul3A_0, %arg0 : i32
    %mul3A_1 = arith.constant 25600 : i32
    %mul3A_2 = arith.muli %add3A, %mul3A_1 : i32
    %eq3A = arith.constant 0 : i32
    %eq3A_3 = arith.cmpi eq, %arg1, %eq3A : i32
    %convert_element_type3A = arith.extui %eq3A_3 : i1 to i32
    %cond3A = arith.constant 0 : i32
    %cond3A_4 = arith.cmpi ne, %convert_element_type3A, %cond3A : i32
    scf.if %cond3A_4 {
      "tpu.region"() ({
        %run_scoped3A = tpu.sem_alloc : memref<!tpu.dma_semaphore, #tpu.memory_space<semaphore_mem>>
        tpu.enqueue_dma source(%arg2 : memref<512x32xf32, #tpu.memory_space<hbm>>) target(%arg8 : memref<512x32xf32, #tpu.memory_space<vmem_shared>>) target_semaphore(%run_scoped3A : memref<!tpu.dma_semaphore, #tpu.memory_space<semaphore_mem>>)
        tpu.wait_dma2 semaphore(%run_scoped3A : memref<!tpu.dma_semaphore, #tpu.memory_space<semaphore_mem>>) src(%arg2 : memref<512x32xf32, #tpu.memory_space<hbm>>) dst(%arg8 : memref<512x32xf32, #tpu.memory_space<vmem_shared>>)
        tpu.yield
      }) : () -> ()
    } else {
    }
    %barrier3A = arith.constant 0 : index
    tpu.barrier barrier_id(%barrier3A)
    "tpu.region"() ({
      %run_scoped3A = tpu.sem_alloc : memref<!tpu.dma_semaphore, #tpu.memory_space<semaphore_mem>>
      %dma_start3A_108 = arith.constant 0 : i32
      %dma_start3A_109 = arith.constant 0 : i32
      %dma_start3A_110 = tpu.memref_slice %arg3[%add3A, %dma_start3A_108, %dma_start3A_109] : memref<32x200x128xi32, #tpu.memory_space<hbm>> -> memref<1x200x128xi32, #tpu.memory_space<hbm>>
      %dma_start3A_111 = tpu.memref_squeeze %dma_start3A_110 : memref<1x200x128xi32, #tpu.memory_space<hbm>> -> memref<200x128xi32, #tpu.memory_space<hbm>>
      %dma_start3A_112 = arith.constant 0 : i32
      %dma_start3A_113 = arith.constant 0 : i32
      %dma_start3A_114 = tpu.memref_slice %arg3[%add3A, %dma_start3A_112, %dma_start3A_113] : memref<32x200x128xi32, #tpu.memory_space<hbm>> -> memref<1x200x128xi32, #tpu.memory_space<hbm>>
      %dma_start3A_115 = tpu.memref_squeeze %dma_start3A_114 : memref<1x200x128xi32, #tpu.memory_space<hbm>> -> memref<200x128xi32, #tpu.memory_space<hbm>>
      tpu.enqueue_dma source(%dma_start3A_115 : memref<200x128xi32, #tpu.memory_space<hbm>>) target(%arg5 : memref<200x128xi32, #tpu.memory_space<vmem>>) target_semaphore(%run_scoped3A : memref<!tpu.dma_semaphore, #tpu.memory_space<semaphore_mem>>)
      %dma_wait3A = arith.constant 0 : i32
      %dma_wait3A_116 = arith.constant 0 : i32
      %dma_wait3A_117 = tpu.memref_slice %arg3[%add3A, %dma_wait3A, %dma_wait3A_116] : memref<32x200x128xi32, #tpu.memory_space<hbm>> -> memref<1x200x128xi32, #tpu.memory_space<hbm>>
      %dma_wait3A_118 = tpu.memref_squeeze %dma_wait3A_117 : memref<1x200x128xi32, #tpu.memory_space<hbm>> -> memref<200x128xi32, #tpu.memory_space<hbm>>
      %dma_wait3A_119 = arith.constant 0 : i32
      %dma_wait3A_120 = arith.constant 0 : i32
      %dma_wait3A_121 = tpu.memref_slice %arg3[%add3A, %dma_wait3A_119, %dma_wait3A_120] : memref<32x200x128xi32, #tpu.memory_space<hbm>> -> memref<1x200x128xi32, #tpu.memory_space<hbm>>
      %dma_wait3A_122 = tpu.memref_squeeze %dma_wait3A_121 : memref<1x200x128xi32, #tpu.memory_space<hbm>> -> memref<200x128xi32, #tpu.memory_space<hbm>>
      tpu.wait_dma2 semaphore(%run_scoped3A : memref<!tpu.dma_semaphore, #tpu.memory_space<semaphore_mem>>) src(%dma_wait3A_122 : memref<200x128xi32, #tpu.memory_space<hbm>>) dst(%arg5 : memref<200x128xi32, #tpu.memory_space<vmem>>)
      tpu.yield
    }) : () -> ()
    %dma_start3A = arith.constant 0 : i32
    %dma_start3A_5 = arith.constant 0 : i32
    %dma_start3A_6 = arith.constant 0 : i32
    %dma_start3A_7 = tpu.memref_slice %arg6[%dma_start3A_5, %dma_start3A_6] : memref<1280x32xf32, #tpu.memory_space<vmem>> -> memref<128x32xf32, #tpu.memory_space<vmem>>
    %dma_start3A_8 = arith.constant 0 : i32
    %dma_start3A_9 = tpu.memref_slice %arg5[%dma_start3A, %dma_start3A_8] : memref<200x128xi32, #tpu.memory_space<vmem>> -> memref<1x128xi32, #tpu.memory_space<vmem>>
    %dma_start3A_10 = tpu.memref_squeeze %dma_start3A_9 : memref<1x128xi32, #tpu.memory_space<vmem>> -> memref<128xi32, #tpu.memory_space<vmem>>
    %dma_start3A_11 = arith.constant 0 : i32
    %dma_start3A_12 = arith.constant 0 : i32
    %dma_start3A_13 = tpu.memref_slice %arg8[%dma_start3A_11, %dma_start3A_12] : memref<512x32xf32, #tpu.memory_space<vmem_shared>> -> memref<512x32xf32, #tpu.memory_space<vmem_shared>>
    tpu.enqueue_indirect_dma source(%dma_start3A_13 : memref<512x32xf32, #tpu.memory_space<vmem_shared>>) target(%dma_start3A_7 : memref<128x32xf32, #tpu.memory_space<vmem>>) offsets(%dma_start3A_10 : memref<128xi32, #tpu.memory_space<vmem>>) semaphore(%arg9 : memref<!tpu.dma_semaphore, #tpu.memory_space<semaphore_mem>>)
    %dma_start3A_14 = arith.constant 1 : i32
    %dma_start3A_15 = arith.constant 128 : i32
    %dma_start3A_16 = arith.constant 0 : i32
    %dma_start3A_17 = tpu.memref_slice %arg6[%dma_start3A_15, %dma_start3A_16] : memref<1280x32xf32, #tpu.memory_space<vmem>> -> memref<128x32xf32, #tpu.memory_space<vmem>>
    %dma_start3A_18 = arith.constant 0 : i32
    %dma_start3A_19 = tpu.memref_slice %arg5[%dma_start3A_14, %dma_start3A_18] : memref<200x128xi32, #tpu.memory_space<vmem>> -> memref<1x128xi32, #tpu.memory_space<vmem>>
    %dma_start3A_20 = tpu.memref_squeeze %dma_start3A_19 : memref<1x128xi32, #tpu.memory_space<vmem>> -> memref<128xi32, #tpu.memory_space<vmem>>
    %dma_start3A_21 = arith.constant 0 : i32
    %dma_start3A_22 = arith.constant 0 : i32
    %dma_start3A_23 = tpu.memref_slice %arg8[%dma_start3A_21, %dma_start3A_22] : memref<512x32xf32, #tpu.memory_space<vmem_shared>> -> memref<512x32xf32, #tpu.memory_space<vmem_shared>>
    tpu.enqueue_indirect_dma source(%dma_start3A_23 : memref<512x32xf32, #tpu.memory_space<vmem_shared>>) target(%dma_start3A_17 : memref<128x32xf32, #tpu.memory_space<vmem>>) offsets(%dma_start3A_20 : memref<128xi32, #tpu.memory_space<vmem>>) semaphore(%arg9 : memref<!tpu.dma_semaphore, #tpu.memory_space<semaphore_mem>>)
    %dma_start3A_24 = arith.constant 2 : i32
    %dma_start3A_25 = arith.constant 256 : i32
    %dma_start3A_26 = arith.constant 0 : i32
    %dma_start3A_27 = tpu.memref_slice %arg6[%dma_start3A_25, %dma_start3A_26] : memref<1280x32xf32, #tpu.memory_space<vmem>> -> memref<128x32xf32, #tpu.memory_space<vmem>>
    %dma_start3A_28 = arith.constant 0 : i32
    %dma_start3A_29 = tpu.memref_slice %arg5[%dma_start3A_24, %dma_start3A_28] : memref<200x128xi32, #tpu.memory_space<vmem>> -> memref<1x128xi32, #tpu.memory_space<vmem>>
    %dma_start3A_30 = tpu.memref_squeeze %dma_start3A_29 : memref<1x128xi32, #tpu.memory_space<vmem>> -> memref<128xi32, #tpu.memory_space<vmem>>
    %dma_start3A_31 = arith.constant 0 : i32
    %dma_start3A_32 = arith.constant 0 : i32
    %dma_start3A_33 = tpu.memref_slice %arg8[%dma_start3A_31, %dma_start3A_32] : memref<512x32xf32, #tpu.memory_space<vmem_shared>> -> memref<512x32xf32, #tpu.memory_space<vmem_shared>>
    tpu.enqueue_indirect_dma source(%dma_start3A_33 : memref<512x32xf32, #tpu.memory_space<vmem_shared>>) target(%dma_start3A_27 : memref<128x32xf32, #tpu.memory_space<vmem>>) offsets(%dma_start3A_30 : memref<128xi32, #tpu.memory_space<vmem>>) semaphore(%arg9 : memref<!tpu.dma_semaphore, #tpu.memory_space<semaphore_mem>>)
    %dma_start3A_34 = arith.constant 3 : i32
    %dma_start3A_35 = arith.constant 384 : i32
    %dma_start3A_36 = arith.constant 0 : i32
    %dma_start3A_37 = tpu.memref_slice %arg6[%dma_start3A_35, %dma_start3A_36] : memref<1280x32xf32, #tpu.memory_space<vmem>> -> memref<128x32xf32, #tpu.memory_space<vmem>>
    %dma_start3A_38 = arith.constant 0 : i32
    %dma_start3A_39 = tpu.memref_slice %arg5[%dma_start3A_34, %dma_start3A_38] : memref<200x128xi32, #tpu.memory_space<vmem>> -> memref<1x128xi32, #tpu.memory_space<vmem>>
    %dma_start3A_40 = tpu.memref_squeeze %dma_start3A_39 : memref<1x128xi32, #tpu.memory_space<vmem>> -> memref<128xi32, #tpu.memory_space<vmem>>
    %dma_start3A_41 = arith.constant 0 : i32
    %dma_start3A_42 = arith.constant 0 : i32
    %dma_start3A_43 = tpu.memref_slice %arg8[%dma_start3A_41, %dma_start3A_42] : memref<512x32xf32, #tpu.memory_space<vmem_shared>> -> memref<512x32xf32, #tpu.memory_space<vmem_shared>>
    tpu.enqueue_indirect_dma source(%dma_start3A_43 : memref<512x32xf32, #tpu.memory_space<vmem_shared>>) target(%dma_start3A_37 : memref<128x32xf32, #tpu.memory_space<vmem>>) offsets(%dma_start3A_40 : memref<128xi32, #tpu.memory_space<vmem>>) semaphore(%arg9 : memref<!tpu.dma_semaphore, #tpu.memory_space<semaphore_mem>>)
    %dma_start3A_44 = arith.constant 4 : i32
    %dma_start3A_45 = arith.constant 512 : i32
    %dma_start3A_46 = arith.constant 0 : i32
    %dma_start3A_47 = tpu.memref_slice %arg6[%dma_start3A_45, %dma_start3A_46] : memref<1280x32xf32, #tpu.memory_space<vmem>> -> memref<128x32xf32, #tpu.memory_space<vmem>>
    %dma_start3A_48 = arith.constant 0 : i32
    %dma_start3A_49 = tpu.memref_slice %arg5[%dma_start3A_44, %dma_start3A_48] : memref<200x128xi32, #tpu.memory_space<vmem>> -> memref<1x128xi32, #tpu.memory_space<vmem>>
    %dma_start3A_50 = tpu.memref_squeeze %dma_start3A_49 : memref<1x128xi32, #tpu.memory_space<vmem>> -> memref<128xi32, #tpu.memory_space<vmem>>
    %dma_start3A_51 = arith.constant 0 : i32
    %dma_start3A_52 = arith.constant 0 : i32
    %dma_start3A_53 = tpu.memref_slice %arg8[%dma_start3A_51, %dma_start3A_52] : memref<512x32xf32, #tpu.memory_space<vmem_shared>> -> memref<512x32xf32, #tpu.memory_space<vmem_shared>>
    tpu.enqueue_indirect_dma source(%dma_start3A_53 : memref<512x32xf32, #tpu.memory_space<vmem_shared>>) target(%dma_start3A_47 : memref<128x32xf32, #tpu.memory_space<vmem>>) offsets(%dma_start3A_50 : memref<128xi32, #tpu.memory_space<vmem>>) semaphore(%arg9 : memref<!tpu.dma_semaphore, #tpu.memory_space<semaphore_mem>>)
    %dma_start3A_54 = arith.constant 5 : i32
    %dma_start3A_55 = arith.constant 640 : i32
    %dma_start3A_56 = arith.constant 0 : i32
    %dma_start3A_57 = tpu.memref_slice %arg6[%dma_start3A_55, %dma_start3A_56] : memref<1280x32xf32, #tpu.memory_space<vmem>> -> memref<128x32xf32, #tpu.memory_space<vmem>>
    %dma_start3A_58 = arith.constant 0 : i32
    %dma_start3A_59 = tpu.memref_slice %arg5[%dma_start3A_54, %dma_start3A_58] : memref<200x128xi32, #tpu.memory_space<vmem>> -> memref<1x128xi32, #tpu.memory_space<vmem>>
    %dma_start3A_60 = tpu.memref_squeeze %dma_start3A_59 : memref<1x128xi32, #tpu.memory_space<vmem>> -> memref<128xi32, #tpu.memory_space<vmem>>
    %dma_start3A_61 = arith.constant 0 : i32
    %dma_start3A_62 = arith.constant 0 : i32
    %dma_start3A_63 = tpu.memref_slice %arg8[%dma_start3A_61, %dma_start3A_62] : memref<512x32xf32, #tpu.memory_space<vmem_shared>> -> memref<512x32xf32, #tpu.memory_space<vmem_shared>>
    tpu.enqueue_indirect_dma source(%dma_start3A_63 : memref<512x32xf32, #tpu.memory_space<vmem_shared>>) target(%dma_start3A_57 : memref<128x32xf32, #tpu.memory_space<vmem>>) offsets(%dma_start3A_60 : memref<128xi32, #tpu.memory_space<vmem>>) semaphore(%arg9 : memref<!tpu.dma_semaphore, #tpu.memory_space<semaphore_mem>>)
    %dma_start3A_64 = arith.constant 6 : i32
    %dma_start3A_65 = arith.constant 768 : i32
    %dma_start3A_66 = arith.constant 0 : i32
    %dma_start3A_67 = tpu.memref_slice %arg6[%dma_start3A_65, %dma_start3A_66] : memref<1280x32xf32, #tpu.memory_space<vmem>> -> memref<128x32xf32, #tpu.memory_space<vmem>>
    %dma_start3A_68 = arith.constant 0 : i32
    %dma_start3A_69 = tpu.memref_slice %arg5[%dma_start3A_64, %dma_start3A_68] : memref<200x128xi32, #tpu.memory_space<vmem>> -> memref<1x128xi32, #tpu.memory_space<vmem>>
    %dma_start3A_70 = tpu.memref_squeeze %dma_start3A_69 : memref<1x128xi32, #tpu.memory_space<vmem>> -> memref<128xi32, #tpu.memory_space<vmem>>
    %dma_start3A_71 = arith.constant 0 : i32
    %dma_start3A_72 = arith.constant 0 : i32
    %dma_start3A_73 = tpu.memref_slice %arg8[%dma_start3A_71, %dma_start3A_72] : memref<512x32xf32, #tpu.memory_space<vmem_shared>> -> memref<512x32xf32, #tpu.memory_space<vmem_shared>>
    tpu.enqueue_indirect_dma source(%dma_start3A_73 : memref<512x32xf32, #tpu.memory_space<vmem_shared>>) target(%dma_start3A_67 : memref<128x32xf32, #tpu.memory_space<vmem>>) offsets(%dma_start3A_70 : memref<128xi32, #tpu.memory_space<vmem>>) semaphore(%arg9 : memref<!tpu.dma_semaphore, #tpu.memory_space<semaphore_mem>>)
    %dma_start3A_74 = arith.constant 7 : i32
    %dma_start3A_75 = arith.constant 896 : i32
    %dma_start3A_76 = arith.constant 0 : i32
    %dma_start3A_77 = tpu.memref_slice %arg6[%dma_start3A_75, %dma_start3A_76] : memref<1280x32xf32, #tpu.memory_space<vmem>> -> memref<128x32xf32, #tpu.memory_space<vmem>>
    %dma_start3A_78 = arith.constant 0 : i32
    %dma_start3A_79 = tpu.memref_slice %arg5[%dma_start3A_74, %dma_start3A_78] : memref<200x128xi32, #tpu.memory_space<vmem>> -> memref<1x128xi32, #tpu.memory_space<vmem>>
    %dma_start3A_80 = tpu.memref_squeeze %dma_start3A_79 : memref<1x128xi32, #tpu.memory_space<vmem>> -> memref<128xi32, #tpu.memory_space<vmem>>
    %dma_start3A_81 = arith.constant 0 : i32
    %dma_start3A_82 = arith.constant 0 : i32
    %dma_start3A_83 = tpu.memref_slice %arg8[%dma_start3A_81, %dma_start3A_82] : memref<512x32xf32, #tpu.memory_space<vmem_shared>> -> memref<512x32xf32, #tpu.memory_space<vmem_shared>>
    tpu.enqueue_indirect_dma source(%dma_start3A_83 : memref<512x32xf32, #tpu.memory_space<vmem_shared>>) target(%dma_start3A_77 : memref<128x32xf32, #tpu.memory_space<vmem>>) offsets(%dma_start3A_80 : memref<128xi32, #tpu.memory_space<vmem>>) semaphore(%arg9 : memref<!tpu.dma_semaphore, #tpu.memory_space<semaphore_mem>>)
    %dma_start3A_84 = arith.constant 8 : i32
    %dma_start3A_85 = arith.constant 1024 : i32
    %dma_start3A_86 = arith.constant 0 : i32
    %dma_start3A_87 = tpu.memref_slice %arg6[%dma_start3A_85, %dma_start3A_86] : memref<1280x32xf32, #tpu.memory_space<vmem>> -> memref<128x32xf32, #tpu.memory_space<vmem>>
    %dma_start3A_88 = arith.constant 0 : i32
    %dma_start3A_89 = tpu.memref_slice %arg5[%dma_start3A_84, %dma_start3A_88] : memref<200x128xi32, #tpu.memory_space<vmem>> -> memref<1x128xi32, #tpu.memory_space<vmem>>
    %dma_start3A_90 = tpu.memref_squeeze %dma_start3A_89 : memref<1x128xi32, #tpu.memory_space<vmem>> -> memref<128xi32, #tpu.memory_space<vmem>>
    %dma_start3A_91 = arith.constant 0 : i32
    %dma_start3A_92 = arith.constant 0 : i32
    %dma_start3A_93 = tpu.memref_slice %arg8[%dma_start3A_91, %dma_start3A_92] : memref<512x32xf32, #tpu.memory_space<vmem_shared>> -> memref<512x32xf32, #tpu.memory_space<vmem_shared>>
    tpu.enqueue_indirect_dma source(%dma_start3A_93 : memref<512x32xf32, #tpu.memory_space<vmem_shared>>) target(%dma_start3A_87 : memref<128x32xf32, #tpu.memory_space<vmem>>) offsets(%dma_start3A_90 : memref<128xi32, #tpu.memory_space<vmem>>) semaphore(%arg9 : memref<!tpu.dma_semaphore, #tpu.memory_space<semaphore_mem>>)
    %dma_start3A_94 = arith.constant 9 : i32
    %dma_start3A_95 = arith.constant 1152 : i32
    %dma_start3A_96 = arith.constant 0 : i32
    %dma_start3A_97 = tpu.memref_slice %arg6[%dma_start3A_95, %dma_start3A_96] : memref<1280x32xf32, #tpu.memory_space<vmem>> -> memref<128x32xf32, #tpu.memory_space<vmem>>
    %dma_start3A_98 = arith.constant 0 : i32
    %dma_start3A_99 = tpu.memref_slice %arg5[%dma_start3A_94, %dma_start3A_98] : memref<200x128xi32, #tpu.memory_space<vmem>> -> memref<1x128xi32, #tpu.memory_space<vmem>>
    %dma_start3A_100 = tpu.memref_squeeze %dma_start3A_99 : memref<1x128xi32, #tpu.memory_space<vmem>> -> memref<128xi32, #tpu.memory_space<vmem>>
    %dma_start3A_101 = arith.constant 0 : i32
    %dma_start3A_102 = arith.constant 0 : i32
    %dma_start3A_103 = tpu.memref_slice %arg8[%dma_start3A_101, %dma_start3A_102] : memref<512x32xf32, #tpu.memory_space<vmem_shared>> -> memref<512x32xf32, #tpu.memory_space<vmem_shared>>
    tpu.enqueue_indirect_dma source(%dma_start3A_103 : memref<512x32xf32, #tpu.memory_space<vmem_shared>>) target(%dma_start3A_97 : memref<128x32xf32, #tpu.memory_space<vmem>>) offsets(%dma_start3A_100 : memref<128xi32, #tpu.memory_space<vmem>>) semaphore(%arg9 : memref<!tpu.dma_semaphore, #tpu.memory_space<semaphore_mem>>)
    %scan3A = arith.constant 0 : i32
    %scan3A_104 = arith.constant 10 : i32
    %scan3A_105 = arith.addi %scan3A, %scan3A_104 : i32
    %scan3A_106 = arith.constant 1 : i32
    scf.for %scan3A_108 = %scan3A to %scan3A_105 step %scan3A_106  : i32 {
      %mul3A_109 = arith.constant 2 : i32
      %mul3A_110 = arith.muli %scan3A_108, %mul3A_109 : i32
      %add3A_111 = arith.constant 0 : i32
      %add3A_112 = arith.addi %add3A_111, %mul3A_110 : i32
      %add3A_113 = arith.constant 1 : i32
      %add3A_114 = arith.addi %add3A_112, %add3A_113 : i32
      %mul3A_115 = arith.constant 10 : i32
      %mul3A_116 = arith.muli %add3A_114, %mul3A_115 : i32
      %add3A_117 = arith.constant 0 : i32
      %add3A_118 = arith.addi %mul3A_116, %add3A_117 : i32
      %dma_start3A_119 = arith.constant 0 : i32
      %dma_start3A_120 = arith.constant 0 : i32
      %dma_start3A_121 = tpu.memref_slice %arg7[%dma_start3A_119, %dma_start3A_120] : memref<1280x32xf32, #tpu.memory_space<vmem>> -> memref<128x32xf32, #tpu.memory_space<vmem>>
      %dma_start3A_122 = arith.constant 0 : i32
      %dma_start3A_123 = tpu.memref_slice %arg5[%add3A_118, %dma_start3A_122] : memref<200x128xi32, #tpu.memory_space<vmem>> -> memref<1x128xi32, #tpu.memory_space<vmem>>
      %dma_start3A_124 = tpu.memref_squeeze %dma_start3A_123 : memref<1x128xi32, #tpu.memory_space<vmem>> -> memref<128xi32, #tpu.memory_space<vmem>>
      %dma_start3A_125 = arith.constant 0 : i32
      %dma_start3A_126 = arith.constant 0 : i32
      %dma_start3A_127 = tpu.memref_slice %arg8[%dma_start3A_125, %dma_start3A_126] : memref<512x32xf32, #tpu.memory_space<vmem_shared>> -> memref<512x32xf32, #tpu.memory_space<vmem_shared>>
      tpu.enqueue_indirect_dma source(%dma_start3A_127 : memref<512x32xf32, #tpu.memory_space<vmem_shared>>) target(%dma_start3A_121 : memref<128x32xf32, #tpu.memory_space<vmem>>) offsets(%dma_start3A_124 : memref<128xi32, #tpu.memory_space<vmem>>) semaphore(%arg10 : memref<!tpu.dma_semaphore, #tpu.memory_space<semaphore_mem>>)
      %mul3A_128 = arith.constant 10 : i32
      %mul3A_129 = arith.muli %add3A_114, %mul3A_128 : i32
      %add3A_130 = arith.constant 1 : i32
      %add3A_131 = arith.addi %mul3A_129, %add3A_130 : i32
      %dma_start3A_132 = arith.constant 128 : i32
      %dma_start3A_133 = arith.constant 0 : i32
      %dma_start3A_134 = tpu.memref_slice %arg7[%dma_start3A_132, %dma_start3A_133] : memref<1280x32xf32, #tpu.memory_space<vmem>> -> memref<128x32xf32, #tpu.memory_space<vmem>>
      %dma_start3A_135 = arith.constant 0 : i32
      %dma_start3A_136 = tpu.memref_slice %arg5[%add3A_131, %dma_start3A_135] : memref<200x128xi32, #tpu.memory_space<vmem>> -> memref<1x128xi32, #tpu.memory_space<vmem>>
      %dma_start3A_137 = tpu.memref_squeeze %dma_start3A_136 : memref<1x128xi32, #tpu.memory_space<vmem>> -> memref<128xi32, #tpu.memory_space<vmem>>
      %dma_start3A_138 = arith.constant 0 : i32
      %dma_start3A_139 = arith.constant 0 : i32
      %dma_start3A_140 = tpu.memref_slice %arg8[%dma_start3A_138, %dma_start3A_139] : memref<512x32xf32, #tpu.memory_space<vmem_shared>> -> memref<512x32xf32, #tpu.memory_space<vmem_shared>>
      tpu.enqueue_indirect_dma source(%dma_start3A_140 : memref<512x32xf32, #tpu.memory_space<vmem_shared>>) target(%dma_start3A_134 : memref<128x32xf32, #tpu.memory_space<vmem>>) offsets(%dma_start3A_137 : memref<128xi32, #tpu.memory_space<vmem>>) semaphore(%arg10 : memref<!tpu.dma_semaphore, #tpu.memory_space<semaphore_mem>>)
      %mul3A_141 = arith.constant 10 : i32
      %mul3A_142 = arith.muli %add3A_114, %mul3A_141 : i32
      %add3A_143 = arith.constant 2 : i32
      %add3A_144 = arith.addi %mul3A_142, %add3A_143 : i32
      %dma_start3A_145 = arith.constant 256 : i32
      %dma_start3A_146 = arith.constant 0 : i32
      %dma_start3A_147 = tpu.memref_slice %arg7[%dma_start3A_145, %dma_start3A_146] : memref<1280x32xf32, #tpu.memory_space<vmem>> -> memref<128x32xf32, #tpu.memory_space<vmem>>
      %dma_start3A_148 = arith.constant 0 : i32
      %dma_start3A_149 = tpu.memref_slice %arg5[%add3A_144, %dma_start3A_148] : memref<200x128xi32, #tpu.memory_space<vmem>> -> memref<1x128xi32, #tpu.memory_space<vmem>>
      %dma_start3A_150 = tpu.memref_squeeze %dma_start3A_149 : memref<1x128xi32, #tpu.memory_space<vmem>> -> memref<128xi32, #tpu.memory_space<vmem>>
      %dma_start3A_151 = arith.constant 0 : i32
      %dma_start3A_152 = arith.constant 0 : i32
      %dma_start3A_153 = tpu.memref_slice %arg8[%dma_start3A_151, %dma_start3A_152] : memref<512x32xf32, #tpu.memory_space<vmem_shared>> -> memref<512x32xf32, #tpu.memory_space<vmem_shared>>
      tpu.enqueue_indirect_dma source(%dma_start3A_153 : memref<512x32xf32, #tpu.memory_space<vmem_shared>>) target(%dma_start3A_147 : memref<128x32xf32, #tpu.memory_space<vmem>>) offsets(%dma_start3A_150 : memref<128xi32, #tpu.memory_space<vmem>>) semaphore(%arg10 : memref<!tpu.dma_semaphore, #tpu.memory_space<semaphore_mem>>)
      %mul3A_154 = arith.constant 10 : i32
      %mul3A_155 = arith.muli %add3A_114, %mul3A_154 : i32
      %add3A_156 = arith.constant 3 : i32
      %add3A_157 = arith.addi %mul3A_155, %add3A_156 : i32
      %dma_start3A_158 = arith.constant 384 : i32
      %dma_start3A_159 = arith.constant 0 : i32
      %dma_start3A_160 = tpu.memref_slice %arg7[%dma_start3A_158, %dma_start3A_159] : memref<1280x32xf32, #tpu.memory_space<vmem>> -> memref<128x32xf32, #tpu.memory_space<vmem>>
      %dma_start3A_161 = arith.constant 0 : i32
      %dma_start3A_162 = tpu.memref_slice %arg5[%add3A_157, %dma_start3A_161] : memref<200x128xi32, #tpu.memory_space<vmem>> -> memref<1x128xi32, #tpu.memory_space<vmem>>
      %dma_start3A_163 = tpu.memref_squeeze %dma_start3A_162 : memref<1x128xi32, #tpu.memory_space<vmem>> -> memref<128xi32, #tpu.memory_space<vmem>>
      %dma_start3A_164 = arith.constant 0 : i32
      %dma_start3A_165 = arith.constant 0 : i32
      %dma_start3A_166 = tpu.memref_slice %arg8[%dma_start3A_164, %dma_start3A_165] : memref<512x32xf32, #tpu.memory_space<vmem_shared>> -> memref<512x32xf32, #tpu.memory_space<vmem_shared>>
      tpu.enqueue_indirect_dma source(%dma_start3A_166 : memref<512x32xf32, #tpu.memory_space<vmem_shared>>) target(%dma_start3A_160 : memref<128x32xf32, #tpu.memory_space<vmem>>) offsets(%dma_start3A_163 : memref<128xi32, #tpu.memory_space<vmem>>) semaphore(%arg10 : memref<!tpu.dma_semaphore, #tpu.memory_space<semaphore_mem>>)
      %mul3A_167 = arith.constant 10 : i32
      %mul3A_168 = arith.muli %add3A_114, %mul3A_167 : i32
      %add3A_169 = arith.constant 4 : i32
      %add3A_170 = arith.addi %mul3A_168, %add3A_169 : i32
      %dma_start3A_171 = arith.constant 512 : i32
      %dma_start3A_172 = arith.constant 0 : i32
      %dma_start3A_173 = tpu.memref_slice %arg7[%dma_start3A_171, %dma_start3A_172] : memref<1280x32xf32, #tpu.memory_space<vmem>> -> memref<128x32xf32, #tpu.memory_space<vmem>>
      %dma_start3A_174 = arith.constant 0 : i32
      %dma_start3A_175 = tpu.memref_slice %arg5[%add3A_170, %dma_start3A_174] : memref<200x128xi32, #tpu.memory_space<vmem>> -> memref<1x128xi32, #tpu.memory_space<vmem>>
      %dma_start3A_176 = tpu.memref_squeeze %dma_start3A_175 : memref<1x128xi32, #tpu.memory_space<vmem>> -> memref<128xi32, #tpu.memory_space<vmem>>
      %dma_start3A_177 = arith.constant 0 : i32
      %dma_start3A_178 = arith.constant 0 : i32
      %dma_start3A_179 = tpu.memref_slice %arg8[%dma_start3A_177, %dma_start3A_178] : memref<512x32xf32, #tpu.memory_space<vmem_shared>> -> memref<512x32xf32, #tpu.memory_space<vmem_shared>>
      tpu.enqueue_indirect_dma source(%dma_start3A_179 : memref<512x32xf32, #tpu.memory_space<vmem_shared>>) target(%dma_start3A_173 : memref<128x32xf32, #tpu.memory_space<vmem>>) offsets(%dma_start3A_176 : memref<128xi32, #tpu.memory_space<vmem>>) semaphore(%arg10 : memref<!tpu.dma_semaphore, #tpu.memory_space<semaphore_mem>>)
      %mul3A_180 = arith.constant 10 : i32
      %mul3A_181 = arith.muli %add3A_114, %mul3A_180 : i32
      %add3A_182 = arith.constant 5 : i32
      %add3A_183 = arith.addi %mul3A_181, %add3A_182 : i32
      %dma_start3A_184 = arith.constant 640 : i32
      %dma_start3A_185 = arith.constant 0 : i32
      %dma_start3A_186 = tpu.memref_slice %arg7[%dma_start3A_184, %dma_start3A_185] : memref<1280x32xf32, #tpu.memory_space<vmem>> -> memref<128x32xf32, #tpu.memory_space<vmem>>
      %dma_start3A_187 = arith.constant 0 : i32
      %dma_start3A_188 = tpu.memref_slice %arg5[%add3A_183, %dma_start3A_187] : memref<200x128xi32, #tpu.memory_space<vmem>> -> memref<1x128xi32, #tpu.memory_space<vmem>>
      %dma_start3A_189 = tpu.memref_squeeze %dma_start3A_188 : memref<1x128xi32, #tpu.memory_space<vmem>> -> memref<128xi32, #tpu.memory_space<vmem>>
      %dma_start3A_190 = arith.constant 0 : i32
      %dma_start3A_191 = arith.constant 0 : i32
      %dma_start3A_192 = tpu.memref_slice %arg8[%dma_start3A_190, %dma_start3A_191] : memref<512x32xf32, #tpu.memory_space<vmem_shared>> -> memref<512x32xf32, #tpu.memory_space<vmem_shared>>
      tpu.enqueue_indirect_dma source(%dma_start3A_192 : memref<512x32xf32, #tpu.memory_space<vmem_shared>>) target(%dma_start3A_186 : memref<128x32xf32, #tpu.memory_space<vmem>>) offsets(%dma_start3A_189 : memref<128xi32, #tpu.memory_space<vmem>>) semaphore(%arg10 : memref<!tpu.dma_semaphore, #tpu.memory_space<semaphore_mem>>)
      %mul3A_193 = arith.constant 10 : i32
      %mul3A_194 = arith.muli %add3A_114, %mul3A_193 : i32
      %add3A_195 = arith.constant 6 : i32
      %add3A_196 = arith.addi %mul3A_194, %add3A_195 : i32
      %dma_start3A_197 = arith.constant 768 : i32
      %dma_start3A_198 = arith.constant 0 : i32
      %dma_start3A_199 = tpu.memref_slice %arg7[%dma_start3A_197, %dma_start3A_198] : memref<1280x32xf32, #tpu.memory_space<vmem>> -> memref<128x32xf32, #tpu.memory_space<vmem>>
      %dma_start3A_200 = arith.constant 0 : i32
      %dma_start3A_201 = tpu.memref_slice %arg5[%add3A_196, %dma_start3A_200] : memref<200x128xi32, #tpu.memory_space<vmem>> -> memref<1x128xi32, #tpu.memory_space<vmem>>
      %dma_start3A_202 = tpu.memref_squeeze %dma_start3A_201 : memref<1x128xi32, #tpu.memory_space<vmem>> -> memref<128xi32, #tpu.memory_space<vmem>>
      %dma_start3A_203 = arith.constant 0 : i32
      %dma_start3A_204 = arith.constant 0 : i32
      %dma_start3A_205 = tpu.memref_slice %arg8[%dma_start3A_203, %dma_start3A_204] : memref<512x32xf32, #tpu.memory_space<vmem_shared>> -> memref<512x32xf32, #tpu.memory_space<vmem_shared>>
      tpu.enqueue_indirect_dma source(%dma_start3A_205 : memref<512x32xf32, #tpu.memory_space<vmem_shared>>) target(%dma_start3A_199 : memref<128x32xf32, #tpu.memory_space<vmem>>) offsets(%dma_start3A_202 : memref<128xi32, #tpu.memory_space<vmem>>) semaphore(%arg10 : memref<!tpu.dma_semaphore, #tpu.memory_space<semaphore_mem>>)
      %mul3A_206 = arith.constant 10 : i32
      %mul3A_207 = arith.muli %add3A_114, %mul3A_206 : i32
      %add3A_208 = arith.constant 7 : i32
      %add3A_209 = arith.addi %mul3A_207, %add3A_208 : i32
      %dma_start3A_210 = arith.constant 896 : i32
      %dma_start3A_211 = arith.constant 0 : i32
      %dma_start3A_212 = tpu.memref_slice %arg7[%dma_start3A_210, %dma_start3A_211] : memref<1280x32xf32, #tpu.memory_space<vmem>> -> memref<128x32xf32, #tpu.memory_space<vmem>>
      %dma_start3A_213 = arith.constant 0 : i32
      %dma_start3A_214 = tpu.memref_slice %arg5[%add3A_209, %dma_start3A_213] : memref<200x128xi32, #tpu.memory_space<vmem>> -> memref<1x128xi32, #tpu.memory_space<vmem>>
      %dma_start3A_215 = tpu.memref_squeeze %dma_start3A_214 : memref<1x128xi32, #tpu.memory_space<vmem>> -> memref<128xi32, #tpu.memory_space<vmem>>
      %dma_start3A_216 = arith.constant 0 : i32
      %dma_start3A_217 = arith.constant 0 : i32
      %dma_start3A_218 = tpu.memref_slice %arg8[%dma_start3A_216, %dma_start3A_217] : memref<512x32xf32, #tpu.memory_space<vmem_shared>> -> memref<512x32xf32, #tpu.memory_space<vmem_shared>>
      tpu.enqueue_indirect_dma source(%dma_start3A_218 : memref<512x32xf32, #tpu.memory_space<vmem_shared>>) target(%dma_start3A_212 : memref<128x32xf32, #tpu.memory_space<vmem>>) offsets(%dma_start3A_215 : memref<128xi32, #tpu.memory_space<vmem>>) semaphore(%arg10 : memref<!tpu.dma_semaphore, #tpu.memory_space<semaphore_mem>>)
      %mul3A_219 = arith.constant 10 : i32
      %mul3A_220 = arith.muli %add3A_114, %mul3A_219 : i32
      %add3A_221 = arith.constant 8 : i32
      %add3A_222 = arith.addi %mul3A_220, %add3A_221 : i32
      %dma_start3A_223 = arith.constant 1024 : i32
      %dma_start3A_224 = arith.constant 0 : i32
      %dma_start3A_225 = tpu.memref_slice %arg7[%dma_start3A_223, %dma_start3A_224] : memref<1280x32xf32, #tpu.memory_space<vmem>> -> memref<128x32xf32, #tpu.memory_space<vmem>>
      %dma_start3A_226 = arith.constant 0 : i32
      %dma_start3A_227 = tpu.memref_slice %arg5[%add3A_222, %dma_start3A_226] : memref<200x128xi32, #tpu.memory_space<vmem>> -> memref<1x128xi32, #tpu.memory_space<vmem>>
      %dma_start3A_228 = tpu.memref_squeeze %dma_start3A_227 : memref<1x128xi32, #tpu.memory_space<vmem>> -> memref<128xi32, #tpu.memory_space<vmem>>
      %dma_start3A_229 = arith.constant 0 : i32
      %dma_start3A_230 = arith.constant 0 : i32
      %dma_start3A_231 = tpu.memref_slice %arg8[%dma_start3A_229, %dma_start3A_230] : memref<512x32xf32, #tpu.memory_space<vmem_shared>> -> memref<512x32xf32, #tpu.memory_space<vmem_shared>>
      tpu.enqueue_indirect_dma source(%dma_start3A_231 : memref<512x32xf32, #tpu.memory_space<vmem_shared>>) target(%dma_start3A_225 : memref<128x32xf32, #tpu.memory_space<vmem>>) offsets(%dma_start3A_228 : memref<128xi32, #tpu.memory_space<vmem>>) semaphore(%arg10 : memref<!tpu.dma_semaphore, #tpu.memory_space<semaphore_mem>>)
      %mul3A_232 = arith.constant 10 : i32
      %mul3A_233 = arith.muli %add3A_114, %mul3A_232 : i32
      %add3A_234 = arith.constant 9 : i32
      %add3A_235 = arith.addi %mul3A_233, %add3A_234 : i32
      %dma_start3A_236 = arith.constant 1152 : i32
      %dma_start3A_237 = arith.constant 0 : i32
      %dma_start3A_238 = tpu.memref_slice %arg7[%dma_start3A_236, %dma_start3A_237] : memref<1280x32xf32, #tpu.memory_space<vmem>> -> memref<128x32xf32, #tpu.memory_space<vmem>>
      %dma_start3A_239 = arith.constant 0 : i32
      %dma_start3A_240 = tpu.memref_slice %arg5[%add3A_235, %dma_start3A_239] : memref<200x128xi32, #tpu.memory_space<vmem>> -> memref<1x128xi32, #tpu.memory_space<vmem>>
      %dma_start3A_241 = tpu.memref_squeeze %dma_start3A_240 : memref<1x128xi32, #tpu.memory_space<vmem>> -> memref<128xi32, #tpu.memory_space<vmem>>
      %dma_start3A_242 = arith.constant 0 : i32
      %dma_start3A_243 = arith.constant 0 : i32
      %dma_start3A_244 = tpu.memref_slice %arg8[%dma_start3A_242, %dma_start3A_243] : memref<512x32xf32, #tpu.memory_space<vmem_shared>> -> memref<512x32xf32, #tpu.memory_space<vmem_shared>>
      tpu.enqueue_indirect_dma source(%dma_start3A_244 : memref<512x32xf32, #tpu.memory_space<vmem_shared>>) target(%dma_start3A_238 : memref<128x32xf32, #tpu.memory_space<vmem>>) offsets(%dma_start3A_241 : memref<128xi32, #tpu.memory_space<vmem>>) semaphore(%arg10 : memref<!tpu.dma_semaphore, #tpu.memory_space<semaphore_mem>>)
      %dma_wait3A = arith.constant 0 : i32
      %dma_wait3A_245 = arith.constant 0 : i32
      %dma_wait3A_246 = tpu.memref_slice %arg4[%dma_wait3A, %dma_wait3A_245] : memref<819200x128xf32, #tpu.memory_space<hbm>> -> memref<1280x32xf32, #tpu.memory_space<hbm>>
      %dma_wait3A_247 = arith.constant 0 : i32
      %dma_wait3A_248 = arith.constant 0 : i32
      %dma_wait3A_249 = tpu.memref_slice %arg4[%dma_wait3A_247, %dma_wait3A_248] : memref<819200x128xf32, #tpu.memory_space<hbm>> -> memref<1280x32xf32, #tpu.memory_space<hbm>>
      tpu.wait_dma2 semaphore(%arg9 : memref<!tpu.dma_semaphore, #tpu.memory_space<semaphore_mem>>) src(%dma_wait3A_249 : memref<1280x32xf32, #tpu.memory_space<hbm>>) dst(%arg6 : memref<1280x32xf32, #tpu.memory_space<vmem>>)
      %mul3A_250 = arith.constant 1280 : i32
      %mul3A_251 = arith.muli %add3A_112, %mul3A_250 : i32
      %add3A_252 = arith.addi %mul3A_2, %mul3A_251 : i32
      "tpu.region"() ({
        %run_scoped3A = tpu.sem_alloc : memref<!tpu.dma_semaphore, #tpu.memory_space<semaphore_mem>>
        %dma_start3A_270 = arith.constant 0 : i32
        %dma_start3A_271 = tpu.memref_slice %arg4[%add3A_252, %dma_start3A_270] : memref<819200x128xf32, #tpu.memory_space<hbm>> -> memref<1280x32xf32, #tpu.memory_space<hbm>>
        %dma_start3A_272 = arith.constant 0 : i32
        %dma_start3A_273 = tpu.memref_slice %arg4[%add3A_252, %dma_start3A_272] : memref<819200x128xf32, #tpu.memory_space<hbm>> -> memref<1280x32xf32, #tpu.memory_space<hbm>>
        tpu.enqueue_dma source(%arg6 : memref<1280x32xf32, #tpu.memory_space<vmem>>) target(%dma_start3A_273 : memref<1280x32xf32, #tpu.memory_space<hbm>>) target_semaphore(%run_scoped3A : memref<!tpu.dma_semaphore, #tpu.memory_space<semaphore_mem>>)
        %dma_wait3A_274 = arith.constant 0 : i32
        %dma_wait3A_275 = tpu.memref_slice %arg4[%add3A_252, %dma_wait3A_274] : memref<819200x128xf32, #tpu.memory_space<hbm>> -> memref<1280x32xf32, #tpu.memory_space<hbm>>
        %dma_wait3A_276 = arith.constant 0 : i32
        %dma_wait3A_277 = tpu.memref_slice %arg4[%add3A_252, %dma_wait3A_276] : memref<819200x128xf32, #tpu.memory_space<hbm>> -> memref<1280x32xf32, #tpu.memory_space<hbm>>
        tpu.wait_dma2 semaphore(%run_scoped3A : memref<!tpu.dma_semaphore, #tpu.memory_space<semaphore_mem>>) src(%arg6 : memref<1280x32xf32, #tpu.memory_space<vmem>>) dst(%dma_wait3A_277 : memref<1280x32xf32, #tpu.memory_space<hbm>>)
        tpu.yield
      }) : () -> ()
      %add3A_253 = arith.constant 2 : i32
      %add3A_254 = arith.addi %add3A_112, %add3A_253 : i32
      %lt3A = arith.constant 20 : i32
      %lt3A_255 = arith.cmpi slt, %add3A_254, %lt3A : i32
      %convert_element_type3A_256 = arith.extui %lt3A_255 : i1 to i32
      %cond3A_257 = arith.constant 0 : i32
      %cond3A_258 = arith.cmpi ne, %convert_element_type3A_256, %cond3A_257 : i32
      scf.if %cond3A_258 {
        %add3A_270 = arith.constant 2 : i32
        %add3A_271 = arith.addi %add3A_112, %add3A_270 : i32
        %mul3A_272 = arith.constant 10 : i32
        %mul3A_273 = arith.muli %add3A_271, %mul3A_272 : i32
        %add3A_274 = arith.constant 0 : i32
        %add3A_275 = arith.addi %mul3A_273, %add3A_274 : i32
        %dma_start3A_276 = arith.constant 0 : i32
        %dma_start3A_277 = arith.constant 0 : i32
        %dma_start3A_278 = tpu.memref_slice %arg6[%dma_start3A_276, %dma_start3A_277] : memref<1280x32xf32, #tpu.memory_space<vmem>> -> memref<128x32xf32, #tpu.memory_space<vmem>>
        %dma_start3A_279 = arith.constant 0 : i32
        %dma_start3A_280 = tpu.memref_slice %arg5[%add3A_275, %dma_start3A_279] : memref<200x128xi32, #tpu.memory_space<vmem>> -> memref<1x128xi32, #tpu.memory_space<vmem>>
        %dma_start3A_281 = tpu.memref_squeeze %dma_start3A_280 : memref<1x128xi32, #tpu.memory_space<vmem>> -> memref<128xi32, #tpu.memory_space<vmem>>
        %dma_start3A_282 = arith.constant 0 : i32
        %dma_start3A_283 = arith.constant 0 : i32
        %dma_start3A_284 = tpu.memref_slice %arg8[%dma_start3A_282, %dma_start3A_283] : memref<512x32xf32, #tpu.memory_space<vmem_shared>> -> memref<512x32xf32, #tpu.memory_space<vmem_shared>>
        tpu.enqueue_indirect_dma source(%dma_start3A_284 : memref<512x32xf32, #tpu.memory_space<vmem_shared>>) target(%dma_start3A_278 : memref<128x32xf32, #tpu.memory_space<vmem>>) offsets(%dma_start3A_281 : memref<128xi32, #tpu.memory_space<vmem>>) semaphore(%arg9 : memref<!tpu.dma_semaphore, #tpu.memory_space<semaphore_mem>>)
        %mul3A_285 = arith.constant 10 : i32
        %mul3A_286 = arith.muli %add3A_271, %mul3A_285 : i32
        %add3A_287 = arith.constant 1 : i32
        %add3A_288 = arith.addi %mul3A_286, %add3A_287 : i32
        %dma_start3A_289 = arith.constant 128 : i32
        %dma_start3A_290 = arith.constant 0 : i32
        %dma_start3A_291 = tpu.memref_slice %arg6[%dma_start3A_289, %dma_start3A_290] : memref<1280x32xf32, #tpu.memory_space<vmem>> -> memref<128x32xf32, #tpu.memory_space<vmem>>
        %dma_start3A_292 = arith.constant 0 : i32
        %dma_start3A_293 = tpu.memref_slice %arg5[%add3A_288, %dma_start3A_292] : memref<200x128xi32, #tpu.memory_space<vmem>> -> memref<1x128xi32, #tpu.memory_space<vmem>>
        %dma_start3A_294 = tpu.memref_squeeze %dma_start3A_293 : memref<1x128xi32, #tpu.memory_space<vmem>> -> memref<128xi32, #tpu.memory_space<vmem>>
        %dma_start3A_295 = arith.constant 0 : i32
        %dma_start3A_296 = arith.constant 0 : i32
        %dma_start3A_297 = tpu.memref_slice %arg8[%dma_start3A_295, %dma_start3A_296] : memref<512x32xf32, #tpu.memory_space<vmem_shared>> -> memref<512x32xf32, #tpu.memory_space<vmem_shared>>
        tpu.enqueue_indirect_dma source(%dma_start3A_297 : memref<512x32xf32, #tpu.memory_space<vmem_shared>>) target(%dma_start3A_291 : memref<128x32xf32, #tpu.memory_space<vmem>>) offsets(%dma_start3A_294 : memref<128xi32, #tpu.memory_space<vmem>>) semaphore(%arg9 : memref<!tpu.dma_semaphore, #tpu.memory_space<semaphore_mem>>)
        %mul3A_298 = arith.constant 10 : i32
        %mul3A_299 = arith.muli %add3A_271, %mul3A_298 : i32
        %add3A_300 = arith.constant 2 : i32
        %add3A_301 = arith.addi %mul3A_299, %add3A_300 : i32
        %dma_start3A_302 = arith.constant 256 : i32
        %dma_start3A_303 = arith.constant 0 : i32
        %dma_start3A_304 = tpu.memref_slice %arg6[%dma_start3A_302, %dma_start3A_303] : memref<1280x32xf32, #tpu.memory_space<vmem>> -> memref<128x32xf32, #tpu.memory_space<vmem>>
        %dma_start3A_305 = arith.constant 0 : i32
        %dma_start3A_306 = tpu.memref_slice %arg5[%add3A_301, %dma_start3A_305] : memref<200x128xi32, #tpu.memory_space<vmem>> -> memref<1x128xi32, #tpu.memory_space<vmem>>
        %dma_start3A_307 = tpu.memref_squeeze %dma_start3A_306 : memref<1x128xi32, #tpu.memory_space<vmem>> -> memref<128xi32, #tpu.memory_space<vmem>>
        %dma_start3A_308 = arith.constant 0 : i32
        %dma_start3A_309 = arith.constant 0 : i32
        %dma_start3A_310 = tpu.memref_slice %arg8[%dma_start3A_308, %dma_start3A_309] : memref<512x32xf32, #tpu.memory_space<vmem_shared>> -> memref<512x32xf32, #tpu.memory_space<vmem_shared>>
        tpu.enqueue_indirect_dma source(%dma_start3A_310 : memref<512x32xf32, #tpu.memory_space<vmem_shared>>) target(%dma_start3A_304 : memref<128x32xf32, #tpu.memory_space<vmem>>) offsets(%dma_start3A_307 : memref<128xi32, #tpu.memory_space<vmem>>) semaphore(%arg9 : memref<!tpu.dma_semaphore, #tpu.memory_space<semaphore_mem>>)
        %mul3A_311 = arith.constant 10 : i32
        %mul3A_312 = arith.muli %add3A_271, %mul3A_311 : i32
        %add3A_313 = arith.constant 3 : i32
        %add3A_314 = arith.addi %mul3A_312, %add3A_313 : i32
        %dma_start3A_315 = arith.constant 384 : i32
        %dma_start3A_316 = arith.constant 0 : i32
        %dma_start3A_317 = tpu.memref_slice %arg6[%dma_start3A_315, %dma_start3A_316] : memref<1280x32xf32, #tpu.memory_space<vmem>> -> memref<128x32xf32, #tpu.memory_space<vmem>>
        %dma_start3A_318 = arith.constant 0 : i32
        %dma_start3A_319 = tpu.memref_slice %arg5[%add3A_314, %dma_start3A_318] : memref<200x128xi32, #tpu.memory_space<vmem>> -> memref<1x128xi32, #tpu.memory_space<vmem>>
        %dma_start3A_320 = tpu.memref_squeeze %dma_start3A_319 : memref<1x128xi32, #tpu.memory_space<vmem>> -> memref<128xi32, #tpu.memory_space<vmem>>
        %dma_start3A_321 = arith.constant 0 : i32
        %dma_start3A_322 = arith.constant 0 : i32
        %dma_start3A_323 = tpu.memref_slice %arg8[%dma_start3A_321, %dma_start3A_322] : memref<512x32xf32, #tpu.memory_space<vmem_shared>> -> memref<512x32xf32, #tpu.memory_space<vmem_shared>>
        tpu.enqueue_indirect_dma source(%dma_start3A_323 : memref<512x32xf32, #tpu.memory_space<vmem_shared>>) target(%dma_start3A_317 : memref<128x32xf32, #tpu.memory_space<vmem>>) offsets(%dma_start3A_320 : memref<128xi32, #tpu.memory_space<vmem>>) semaphore(%arg9 : memref<!tpu.dma_semaphore, #tpu.memory_space<semaphore_mem>>)
        %mul3A_324 = arith.constant 10 : i32
        %mul3A_325 = arith.muli %add3A_271, %mul3A_324 : i32
        %add3A_326 = arith.constant 4 : i32
        %add3A_327 = arith.addi %mul3A_325, %add3A_326 : i32
        %dma_start3A_328 = arith.constant 512 : i32
        %dma_start3A_329 = arith.constant 0 : i32
        %dma_start3A_330 = tpu.memref_slice %arg6[%dma_start3A_328, %dma_start3A_329] : memref<1280x32xf32, #tpu.memory_space<vmem>> -> memref<128x32xf32, #tpu.memory_space<vmem>>
        %dma_start3A_331 = arith.constant 0 : i32
        %dma_start3A_332 = tpu.memref_slice %arg5[%add3A_327, %dma_start3A_331] : memref<200x128xi32, #tpu.memory_space<vmem>> -> memref<1x128xi32, #tpu.memory_space<vmem>>
        %dma_start3A_333 = tpu.memref_squeeze %dma_start3A_332 : memref<1x128xi32, #tpu.memory_space<vmem>> -> memref<128xi32, #tpu.memory_space<vmem>>
        %dma_start3A_334 = arith.constant 0 : i32
        %dma_start3A_335 = arith.constant 0 : i32
        %dma_start3A_336 = tpu.memref_slice %arg8[%dma_start3A_334, %dma_start3A_335] : memref<512x32xf32, #tpu.memory_space<vmem_shared>> -> memref<512x32xf32, #tpu.memory_space<vmem_shared>>
        tpu.enqueue_indirect_dma source(%dma_start3A_336 : memref<512x32xf32, #tpu.memory_space<vmem_shared>>) target(%dma_start3A_330 : memref<128x32xf32, #tpu.memory_space<vmem>>) offsets(%dma_start3A_333 : memref<128xi32, #tpu.memory_space<vmem>>) semaphore(%arg9 : memref<!tpu.dma_semaphore, #tpu.memory_space<semaphore_mem>>)
        %mul3A_337 = arith.constant 10 : i32
        %mul3A_338 = arith.muli %add3A_271, %mul3A_337 : i32
        %add3A_339 = arith.constant 5 : i32
        %add3A_340 = arith.addi %mul3A_338, %add3A_339 : i32
        %dma_start3A_341 = arith.constant 640 : i32
        %dma_start3A_342 = arith.constant 0 : i32
        %dma_start3A_343 = tpu.memref_slice %arg6[%dma_start3A_341, %dma_start3A_342] : memref<1280x32xf32, #tpu.memory_space<vmem>> -> memref<128x32xf32, #tpu.memory_space<vmem>>
        %dma_start3A_344 = arith.constant 0 : i32
        %dma_start3A_345 = tpu.memref_slice %arg5[%add3A_340, %dma_start3A_344] : memref<200x128xi32, #tpu.memory_space<vmem>> -> memref<1x128xi32, #tpu.memory_space<vmem>>
        %dma_start3A_346 = tpu.memref_squeeze %dma_start3A_345 : memref<1x128xi32, #tpu.memory_space<vmem>> -> memref<128xi32, #tpu.memory_space<vmem>>
        %dma_start3A_347 = arith.constant 0 : i32
        %dma_start3A_348 = arith.constant 0 : i32
        %dma_start3A_349 = tpu.memref_slice %arg8[%dma_start3A_347, %dma_start3A_348] : memref<512x32xf32, #tpu.memory_space<vmem_shared>> -> memref<512x32xf32, #tpu.memory_space<vmem_shared>>
        tpu.enqueue_indirect_dma source(%dma_start3A_349 : memref<512x32xf32, #tpu.memory_space<vmem_shared>>) target(%dma_start3A_343 : memref<128x32xf32, #tpu.memory_space<vmem>>) offsets(%dma_start3A_346 : memref<128xi32, #tpu.memory_space<vmem>>) semaphore(%arg9 : memref<!tpu.dma_semaphore, #tpu.memory_space<semaphore_mem>>)
        %mul3A_350 = arith.constant 10 : i32
        %mul3A_351 = arith.muli %add3A_271, %mul3A_350 : i32
        %add3A_352 = arith.constant 6 : i32
        %add3A_353 = arith.addi %mul3A_351, %add3A_352 : i32
        %dma_start3A_354 = arith.constant 768 : i32
        %dma_start3A_355 = arith.constant 0 : i32
        %dma_start3A_356 = tpu.memref_slice %arg6[%dma_start3A_354, %dma_start3A_355] : memref<1280x32xf32, #tpu.memory_space<vmem>> -> memref<128x32xf32, #tpu.memory_space<vmem>>
        %dma_start3A_357 = arith.constant 0 : i32
        %dma_start3A_358 = tpu.memref_slice %arg5[%add3A_353, %dma_start3A_357] : memref<200x128xi32, #tpu.memory_space<vmem>> -> memref<1x128xi32, #tpu.memory_space<vmem>>
        %dma_start3A_359 = tpu.memref_squeeze %dma_start3A_358 : memref<1x128xi32, #tpu.memory_space<vmem>> -> memref<128xi32, #tpu.memory_space<vmem>>
        %dma_start3A_360 = arith.constant 0 : i32
        %dma_start3A_361 = arith.constant 0 : i32
        %dma_start3A_362 = tpu.memref_slice %arg8[%dma_start3A_360, %dma_start3A_361] : memref<512x32xf32, #tpu.memory_space<vmem_shared>> -> memref<512x32xf32, #tpu.memory_space<vmem_shared>>
        tpu.enqueue_indirect_dma source(%dma_start3A_362 : memref<512x32xf32, #tpu.memory_space<vmem_shared>>) target(%dma_start3A_356 : memref<128x32xf32, #tpu.memory_space<vmem>>) offsets(%dma_start3A_359 : memref<128xi32, #tpu.memory_space<vmem>>) semaphore(%arg9 : memref<!tpu.dma_semaphore, #tpu.memory_space<semaphore_mem>>)
        %mul3A_363 = arith.constant 10 : i32
        %mul3A_364 = arith.muli %add3A_271, %mul3A_363 : i32
        %add3A_365 = arith.constant 7 : i32
        %add3A_366 = arith.addi %mul3A_364, %add3A_365 : i32
        %dma_start3A_367 = arith.constant 896 : i32
        %dma_start3A_368 = arith.constant 0 : i32
        %dma_start3A_369 = tpu.memref_slice %arg6[%dma_start3A_367, %dma_start3A_368] : memref<1280x32xf32, #tpu.memory_space<vmem>> -> memref<128x32xf32, #tpu.memory_space<vmem>>
        %dma_start3A_370 = arith.constant 0 : i32
        %dma_start3A_371 = tpu.memref_slice %arg5[%add3A_366, %dma_start3A_370] : memref<200x128xi32, #tpu.memory_space<vmem>> -> memref<1x128xi32, #tpu.memory_space<vmem>>
        %dma_start3A_372 = tpu.memref_squeeze %dma_start3A_371 : memref<1x128xi32, #tpu.memory_space<vmem>> -> memref<128xi32, #tpu.memory_space<vmem>>
        %dma_start3A_373 = arith.constant 0 : i32
        %dma_start3A_374 = arith.constant 0 : i32
        %dma_start3A_375 = tpu.memref_slice %arg8[%dma_start3A_373, %dma_start3A_374] : memref<512x32xf32, #tpu.memory_space<vmem_shared>> -> memref<512x32xf32, #tpu.memory_space<vmem_shared>>
        tpu.enqueue_indirect_dma source(%dma_start3A_375 : memref<512x32xf32, #tpu.memory_space<vmem_shared>>) target(%dma_start3A_369 : memref<128x32xf32, #tpu.memory_space<vmem>>) offsets(%dma_start3A_372 : memref<128xi32, #tpu.memory_space<vmem>>) semaphore(%arg9 : memref<!tpu.dma_semaphore, #tpu.memory_space<semaphore_mem>>)
        %mul3A_376 = arith.constant 10 : i32
        %mul3A_377 = arith.muli %add3A_271, %mul3A_376 : i32
        %add3A_378 = arith.constant 8 : i32
        %add3A_379 = arith.addi %mul3A_377, %add3A_378 : i32
        %dma_start3A_380 = arith.constant 1024 : i32
        %dma_start3A_381 = arith.constant 0 : i32
        %dma_start3A_382 = tpu.memref_slice %arg6[%dma_start3A_380, %dma_start3A_381] : memref<1280x32xf32, #tpu.memory_space<vmem>> -> memref<128x32xf32, #tpu.memory_space<vmem>>
        %dma_start3A_383 = arith.constant 0 : i32
        %dma_start3A_384 = tpu.memref_slice %arg5[%add3A_379, %dma_start3A_383] : memref<200x128xi32, #tpu.memory_space<vmem>> -> memref<1x128xi32, #tpu.memory_space<vmem>>
        %dma_start3A_385 = tpu.memref_squeeze %dma_start3A_384 : memref<1x128xi32, #tpu.memory_space<vmem>> -> memref<128xi32, #tpu.memory_space<vmem>>
        %dma_start3A_386 = arith.constant 0 : i32
        %dma_start3A_387 = arith.constant 0 : i32
        %dma_start3A_388 = tpu.memref_slice %arg8[%dma_start3A_386, %dma_start3A_387] : memref<512x32xf32, #tpu.memory_space<vmem_shared>> -> memref<512x32xf32, #tpu.memory_space<vmem_shared>>
        tpu.enqueue_indirect_dma source(%dma_start3A_388 : memref<512x32xf32, #tpu.memory_space<vmem_shared>>) target(%dma_start3A_382 : memref<128x32xf32, #tpu.memory_space<vmem>>) offsets(%dma_start3A_385 : memref<128xi32, #tpu.memory_space<vmem>>) semaphore(%arg9 : memref<!tpu.dma_semaphore, #tpu.memory_space<semaphore_mem>>)
        %mul3A_389 = arith.constant 10 : i32
        %mul3A_390 = arith.muli %add3A_271, %mul3A_389 : i32
        %add3A_391 = arith.constant 9 : i32
        %add3A_392 = arith.addi %mul3A_390, %add3A_391 : i32
        %dma_start3A_393 = arith.constant 1152 : i32
        %dma_start3A_394 = arith.constant 0 : i32
        %dma_start3A_395 = tpu.memref_slice %arg6[%dma_start3A_393, %dma_start3A_394] : memref<1280x32xf32, #tpu.memory_space<vmem>> -> memref<128x32xf32, #tpu.memory_space<vmem>>
        %dma_start3A_396 = arith.constant 0 : i32
        %dma_start3A_397 = tpu.memref_slice %arg5[%add3A_392, %dma_start3A_396] : memref<200x128xi32, #tpu.memory_space<vmem>> -> memref<1x128xi32, #tpu.memory_space<vmem>>
        %dma_start3A_398 = tpu.memref_squeeze %dma_start3A_397 : memref<1x128xi32, #tpu.memory_space<vmem>> -> memref<128xi32, #tpu.memory_space<vmem>>
        %dma_start3A_399 = arith.constant 0 : i32
        %dma_start3A_400 = arith.constant 0 : i32
        %dma_start3A_401 = tpu.memref_slice %arg8[%dma_start3A_399, %dma_start3A_400] : memref<512x32xf32, #tpu.memory_space<vmem_shared>> -> memref<512x32xf32, #tpu.memory_space<vmem_shared>>
        tpu.enqueue_indirect_dma source(%dma_start3A_401 : memref<512x32xf32, #tpu.memory_space<vmem_shared>>) target(%dma_start3A_395 : memref<128x32xf32, #tpu.memory_space<vmem>>) offsets(%dma_start3A_398 : memref<128xi32, #tpu.memory_space<vmem>>) semaphore(%arg9 : memref<!tpu.dma_semaphore, #tpu.memory_space<semaphore_mem>>)
      } else {
      }
      %dma_wait3A_259 = arith.constant 0 : i32
      %dma_wait3A_260 = arith.constant 0 : i32
      %dma_wait3A_261 = tpu.memref_slice %arg4[%dma_wait3A_259, %dma_wait3A_260] : memref<819200x128xf32, #tpu.memory_space<hbm>> -> memref<1280x32xf32, #tpu.memory_space<hbm>>
      %dma_wait3A_262 = arith.constant 0 : i32
      %dma_wait3A_263 = arith.constant 0 : i32
      %dma_wait3A_264 = tpu.memref_slice %arg4[%dma_wait3A_262, %dma_wait3A_263] : memref<819200x128xf32, #tpu.memory_space<hbm>> -> memref<1280x32xf32, #tpu.memory_space<hbm>>
      tpu.wait_dma2 semaphore(%arg10 : memref<!tpu.dma_semaphore, #tpu.memory_space<semaphore_mem>>) src(%dma_wait3A_264 : memref<1280x32xf32, #tpu.memory_space<hbm>>) dst(%arg7 : memref<1280x32xf32, #tpu.memory_space<vmem>>)
      %add3A_265 = arith.constant 1 : i32
      %add3A_266 = arith.addi %add3A_112, %add3A_265 : i32
      %mul3A_267 = arith.constant 1280 : i32
      %mul3A_268 = arith.muli %add3A_266, %mul3A_267 : i32
      %add3A_269 = arith.addi %mul3A_2, %mul3A_268 : i32
      "tpu.region"() ({
        %run_scoped3A = tpu.sem_alloc : memref<!tpu.dma_semaphore, #tpu.memory_space<semaphore_mem>>
        %dma_start3A_270 = arith.constant 0 : i32
        %dma_start3A_271 = tpu.memref_slice %arg4[%add3A_269, %dma_start3A_270] : memref<819200x128xf32, #tpu.memory_space<hbm>> -> memref<1280x32xf32, #tpu.memory_space<hbm>>
        %dma_start3A_272 = arith.constant 0 : i32
        %dma_start3A_273 = tpu.memref_slice %arg4[%add3A_269, %dma_start3A_272] : memref<819200x128xf32, #tpu.memory_space<hbm>> -> memref<1280x32xf32, #tpu.memory_space<hbm>>
        tpu.enqueue_dma source(%arg7 : memref<1280x32xf32, #tpu.memory_space<vmem>>) target(%dma_start3A_273 : memref<1280x32xf32, #tpu.memory_space<hbm>>) target_semaphore(%run_scoped3A : memref<!tpu.dma_semaphore, #tpu.memory_space<semaphore_mem>>)
        %dma_wait3A_274 = arith.constant 0 : i32
        %dma_wait3A_275 = tpu.memref_slice %arg4[%add3A_269, %dma_wait3A_274] : memref<819200x128xf32, #tpu.memory_space<hbm>> -> memref<1280x32xf32, #tpu.memory_space<hbm>>
        %dma_wait3A_276 = arith.constant 0 : i32
        %dma_wait3A_277 = tpu.memref_slice %arg4[%add3A_269, %dma_wait3A_276] : memref<819200x128xf32, #tpu.memory_space<hbm>> -> memref<1280x32xf32, #tpu.memory_space<hbm>>
        tpu.wait_dma2 semaphore(%run_scoped3A : memref<!tpu.dma_semaphore, #tpu.memory_space<semaphore_mem>>) src(%arg7 : memref<1280x32xf32, #tpu.memory_space<vmem>>) dst(%dma_wait3A_277 : memref<1280x32xf32, #tpu.memory_space<hbm>>)
        tpu.yield
      }) : () -> ()
    }
    %scan3A_107 = arith.constant 10 : i32
    return
  }
}

module attributes {stable_mosaic.version = 14 : i64} {
  func.func @_table_body(%arg0: memref<512x128xf32, #tpu.memory_space<vmem>>, %arg1: memref<128x32xf32, #tpu.memory_space<vmem>>, %arg2: memref<1x32xf32, #tpu.memory_space<vmem>>, %arg3: memref<512x32xf32, #tpu.memory_space<vmem>>) attributes {dimension_semantics = [], scalar_prefetch = 0 : i64, scratch_operands = 0 : i64, tpu.core_type = #tpu.core_type<tc>} {
    %get3A = arith.constant 0 : index
    %get3A_0 = arith.constant 0 : index
    %get3A_1 = vector.load %arg0[%get3A, %get3A_0] : memref<512x128xf32, #tpu.memory_space<vmem>>, vector<512x128xf32>
    %get3A_2 = arith.constant 0 : index
    %get3A_3 = arith.constant 0 : index
    %get3A_4 = vector.load %arg1[%get3A_2, %get3A_3] : memref<128x32xf32, #tpu.memory_space<vmem>>, vector<128x32xf32>
    %dot_general3A = arith.constant dense<0.000000e+00> : vector<512x32xf32>
    %dot_general3A_5 = tpu.matmul %get3A_1, %get3A_4, %dot_general3A {dimension_numbers = #tpu.dot_dimension_numbers<[1], [0], [0], [1], [0, 0, 1, 1], [], []>, transpose_lhs_hint = false} : vector<512x128xf32>, vector<128x32xf32>, vector<512x32xf32> -> vector<512x32xf32>
    %get3A_6 = arith.constant 0 : index
    %get3A_7 = arith.constant 0 : index
    %get3A_8 = vector.load %arg2[%get3A_6, %get3A_7] : memref<1x32xf32, #tpu.memory_space<vmem>>, vector<1x32xf32>
    %add3A = vector.broadcast %get3A_8 : vector<1x32xf32> to vector<512x32xf32>
    %add3A_9 = arith.addf %dot_general3A_5, %add3A : vector<512x32xf32>
    %tanh3A = math.tanh %add3A_9 : vector<512x32xf32>
    %swap3A = arith.constant 0 : index
    %swap3A_10 = arith.constant 0 : index
    %swap3A_11 = vector.load %arg3[%swap3A, %swap3A_10] : memref<512x32xf32, #tpu.memory_space<vmem>>, vector<512x32xf32>
    tpu.vector_store %arg3[%swap3A, %swap3A_10], %tanh3A {strides = array<i32>} : memref<512x32xf32, #tpu.memory_space<vmem>>, vector<512x32xf32>,
    return
  }
}

</mosaic_0001>

<sc_bundles>
// kernel: kernel.4.cloned.1.call-start
scs
__scs_entry_jumppad:
0x0: {  	(pc) =	sbr.rel $0x88, $3  }
0x1: {  	(tag) =	ssettag $0x0;
	lr =	simm.s32 $0x1  }
0x2: {  	[smem:$0x3F9D] =	sst lr;
	_ =	strace $0xD0000000  }
0x3: {  	_ = 	snop  }
0x4: {  	_ = 	snop  }
0x5: {  	_ = 	snop  }
0x6: {  	_ = 	snop  }
0x7: {  	_ = 	snop  }
__scs_overlays_trampoline_lowered:
0x8: {  	[smem:$0x3FAC] =	sst s0  }
0x9: {  	[smem:$0x3FAD] =	sst s1  }
0xa: {  	[smem:$0x3FAE] =	sst s2  }
0xb: {  	[smem:$0x3FAF] =	sst s3  }
0xc: {  	[smem:$0x3FB0] =	sst s4  }
0xd: {  	[smem:$0x3FB1] =	sst s5  }
0xe: {  	[smem:$0x3FB2] =	sst s6  }
0xf: {  	[smem:$0x3FB3] =	sst s7  }
0x10: {  	[smem:$0x3FB4] =	sst s8  }
0x11: {  	[smem:$0x3FB5] =	sst s9;
	s0 =	simm.s32 @!p0 $0x0  }
0x12: {  	s1 =	sld [smem:$0x3F9B];
	s0 =	simm.s32 @p0 $0x1  }
0x13: {  	[smem:$0x3FB6] =	sst s0;
	s0 =	simm.s32 @!p1 $0x0  }
0x14: {  	s2 =	sld [smem:$0x3F9A];
	s0 =	simm.s32 @p1 $0x1  }
0x15: {  	[smem:$0x3FB7] =	sst s0;
	s0 =	simm.s32 @!p2 $0x0  }
0x16: {  	s3 =	sld [smem:$0x3FDB];
	s0 =	simm.s32 @p2 $0x1  }
0x17: {  	s4 =	simm.s32 $0x1BF5;
	[smem:$0x3FB9] =	sst s0  }
0x18: {  	s0 =	sld [smem:$0x3F9C];
	_ =	swait.ge [sflag:s4], $0x0  }
0x19: {  	s7 =	sld [smem:$0x3F9D]  }
0x1a: {  	s8 =	sadd.s32 $0xFFFFE003, lr  }
0x1b: {  	s9 =	sadd.s32 $0xFFFFFEF7, lr;
	s5 =	simm.s32 $0xFFFFFFFF;
	p2 =	slt.u32 s8, $0xFFFFF086  }
0x1c: {  	p1 =	slt.u32 s9, $0xF7A;
	s5 =	simm.s32 @!p2 $0x0  }
0x1d: {  	s5 =	simm.s32 @p1 $0x1;
	p0 =	seq.s32 s7, s2  }
0x1e: {  	s7 =	smul.u32 @!p0 $0xF7A, s2;
	p2 =	seq.s32 @!p0 s5, $0x0  }
0x1f: {  	s9 =	smul.u32 $0xF7A, s1;
	s8 =	simm.s32 @!p0 $0x1BF5;
	p2 =	por !p2, p0  }
0x20: {  	[sflag:s8] =	ssyncset.s32 @!p0 $0xFFFFF086;
	s6 =	sadd.s32 @!p0 s3, s7;
	s7 =	simm.s32 @!p0 $0x108  }
0x21: {  	s3 =	sadd.s32 s3, s9;
	s6 =	sadd.s32 @!p0 $0x88, s6;
	s7 =	simm.s32 @p2 $0x1082  }
0x22: {  	[simem:s7], [sflag:s8] =	dma.local @!p0 [hbm:s6], $0xF7A  }
0x23: {  	s9 =	sor.u32 $0xD0000000, s2;
	s6 =	simm.s32 $0x108;
	_ =	swait.ge @!p0 [sflag:s8], $0x0  }
0x24: {  	s3 =	sadd.s32 $0x88, s3;
	s6 =	simm.s32 @!p1 $0x1082;
	[sflag:s4] =	ssyncset.s32 $0xFFFFF086  }
0x25: {  	[simem:s6], [sflag:s4] =	dma.local [hbm:s3], $0xF7A  }
0x26: {  	[smem:$0x3F9D] =	sst s1;
	(tag) =	ssettag s2;
	_ =	strace s9  }
0x27: {  	s1 =	sld [smem:$0x3FAD]  }
0x28: {  	s2 =	sld [smem:$0x3FAE]  }
0x29: {  	s4 =	sld [smem:$0x3FB0]  }
0x2a: {  	p0 =	seq.s32 s5, $0x0;
	s5 =	sld [smem:$0x3FB1]  }
0x2b: {  	s6 =	sld [smem:$0x3FB2]  }
0x2c: {  	s7 =	sld [smem:$0x3FB3]  }
0x2d: {  	s3 =	simm.s32 $0x108;
	s8 =	sld [smem:$0x3FB4]  }
0x2e: {  	s3 =	simm.s32 @!p0 $0x1082;
	s9 =	sld [smem:$0x3FB5]  }
0x2f: {  	lr =	sadd.s32 s0, s3;
	s0 =	sld [smem:$0x3FAC]  }
0x30: {  	s3 =	sld [smem:$0x3FAF]  }
0x31: {  	[smem:$0x3FB8] =	sst s10  }
0x32: {  	s10 =	sld [smem:$0x3FB6];
	_ =	sdelay $0x3  }
0x33: {  	p0 =	seq.s32 s10, $0x1;
	s10 =	sld [smem:$0x3FB8];
	_ =	sdelay $0x3  }
0x34: {  	[smem:$0x3FB8] =	sst s10  }
0x35: {  	s10 =	sld [smem:$0x3FB7];
	_ =	sdelay $0x3  }
0x36: {  	p1 =	seq.s32 s10, $0x1;
	s10 =	sld [smem:$0x3FB8];
	_ =	sdelay $0x3  }
0x37: {  	[smem:$0x3FB8] =	sst s10  }
0x38: {  	s10 =	sld [smem:$0x3FB9]  }
0x39: {  	_ = 	snop;
	(pc) =	sbr.ind lr, $3  }
0x3a: {  	_ = 	snop  }
0x3b: {  	_ = 	snop  }
0x3c: {  	p2 =	seq.s32 s10, $0x1;
	s10 =	sld [smem:$0x3FB8]  }
0x3d: {  	_ =	shalt  }
0x3e: {  	_ =	shalt  }
0x3f: {  	_ =	shalt  }
0x40: {  	_ =	shalt  }
0x41: {  	_ =	shalt  }
0x42: {  	_ =	shalt  }
0x43: {  	_ =	shalt  }
0x44: {  	_ =	shalt  }
0x45: {  	_ =	shalt  }
0x46: {  	_ =	shalt  }
0x47: {  	_ =	shalt  }
0x48: {  	_ =	shalt  }
0x49: {  	_ =	shalt  }
0x4a: {  	_ =	shalt  }
0x4b: {  	_ =	shalt  }
0x4c: {  	_ =	shalt  }
0x4d: {  	_ =	shalt  }
0x4e: {  	_ =	shalt  }
0x4f: {  	_ =	shalt  }
0x50: {  	_ =	shalt  }
0x51: {  	_ =	shalt  }
0x52: {  	_ =	shalt  }
0x53: {  	_ =	shalt  }
0x54: {  	_ =	shalt  }
0x55: {  	_ =	shalt  }
0x56: {  	_ =	shalt  }
0x57: {  	_ =	shalt  }
0x58: {  	_ =	shalt  }
0x59: {  	_ =	shalt  }
0x5a: {  	_ =	shalt  }
0x5b: {  	_ =	shalt  }
0x5c: {  	_ =	shalt  }
0x5d: {  	_ =	shalt  }
0x5e: {  	_ =	shalt  }
0x5f: {  	_ =	shalt  }
0x60: {  	_ =	shalt  }
0x61: {  	_ =	shalt  }
0x62: {  	_ =	shalt  }
0x63: {  	_ =	shalt  }
0x64: {  	_ =	shalt  }
0x65: {  	_ =	shalt  }
0x66: {  	_ =	shalt  }
0x67: {  	_ =	shalt  }
0x68: {  	_ =	shalt  }
0x69: {  	_ =	shalt  }
0x6a: {  	_ =	shalt  }
0x6b: {  	_ =	shalt  }
0x6c: {  	_ =	shalt  }
0x6d: {  	_ =	shalt  }
0x6e: {  	_ =	shalt  }
0x6f: {  	_ =	shalt  }
0x70: {  	_ =	shalt  }
0x71: {  	_ =	shalt  }
0x72: {  	_ =	shalt  }
0x73: {  	_ =	shalt  }
0x74: {  	_ =	shalt  }
0x75: {  	_ =	shalt  }
0x76: {  	_ =	shalt  }
0x77: {  	_ =	shalt  }
0x78: {  	_ =	shalt  }
0x79: {  	_ =	shalt  }
0x7a: {  	_ =	shalt  }
0x7b: {  	_ =	shalt  }
0x7c: {  	_ =	shalt  }
0x7d: {  	_ =	shalt  }
0x7e: {  	_ =	shalt  }
0x7f: {  	_ =	shalt  }
0x80: {  	_ =	shalt  }
0x81: {  	_ =	shalt  }
0x82: {  	_ =	shalt  }
0x83: {  	_ =	shalt  }
0x84: {  	_ =	shalt  }
0x85: {  	_ =	shalt  }
0x86: {  	_ =	shalt  }
0x87: {  	_ =	shalt  }
.Lfunc_end0:
.L_simem_size_0:
called_computation.1_lowered:
.L_overlay_start_0:
0x88: {  	s2 =	sld [smem:$0x3FD9]  }
0x89: {  	s3 =	sld [smem:$0x3FFE];
	_ =	sdelay $0x1  }
0x8a: {  	s1 =	srdreg.scid  }
0x8b: {  	s0 =	sand.u32 $0x1, s1  }
0x8c: {  	s17 =	sshll.u32 s0, $0xA;
	s2 =	sadd.s32 s3, s2  }
0x8d: {  	s2 =	sadd.s32 s2, s17  }
0x8e: {  	[smem:$0x3FC4] =	sst s2  }
0x8f: {  	_ = 	snop  }
0x90: {  	s2 =	sld [smem:$0x3FD0];
	(tm) =	ssettm $0x1  }
0x91: {  	s18 =	sld [smem:$0x3FFB];
	_ =	sdelay $0x3  }
0x92: {  	_ =	strace s18  }
0x93: {  	s3 =	sld [smem:$0x3FFC];
	_ =	sdelay $0x3  }
0x94: {  	_ =	strace s3  }
0x95: {  	s3 =	sld [smem:$0x3FFD];
	_ =	sdelay $0x3  }
0x96: {  	_ =	strace s3  }
0x97: {  	_ =	strace $0x8FFFFFFF  }
0x98: {  	s19 =	sld [smem:$0x3FDB];
	_ =	sdelay $0x1  }
0x99: {  	s4 =	simm.s32 $_scs_section_size  }
0x9a: {  	s5 =	simm.s32 $_size__tile_overlayer_lowered;
	s6 =	simm.s32 $_tile_overlayer_lowered  }
0x9b: {  	s22 =	simm.s32 $0x1BFF;
	s21 =	sshll.u32 s6, $0x1;
	s3 =	sadd.s32 s4, s19  }
0x9c: {  	s7 =	simm.s32 $0x0;
	s20 =	sshll.u32 s5, $0x1;
	s5 =	sadd.s32 s21, s3  }
0x9d: {  	[timem:s7], [sflag:s22] =	dma.local [hbm:s5], s20  }
0x9e: {  	_ =	swait.ge [sflag:s22], s20  }
0x9f: {  	s4 =	ssub.s32 $0x0, s20;
	[sflag:s22] =	ssyncset.done $0x0  }
0xa0: {  	[sflag:s22] =	ssyncadd.s32 s4;
	_ =	sdelay $0x1  }
0xa1: {  	s23 =	simm.s32 $0x1B8B  }
0xa2: {  	_ =	swait.ge [sflag:s23], $0x1  }
0xa3: {  	[sflag:s23] =	ssyncset.done $0x0  }
0xa4: {  	s25 =	simm.s32 $0x1B8E;
	s24 =	sld [smem:$0x3FFE];
	[sflag:s23] =	ssyncadd.s32 $0xFFFFFFFF  }
0xa5: {  	s26 =	simm.s32 $execute0_lowered;
	[smem:$0x3FD2] =	sst s25  }
0xa6: {  	s5 =	sshll.u32 s26, $0x1;
	_ =	strace $0x80000046;
	[dreg:$0x1] =	wrdreg $0xFFFFFFFF  }
0xa7: {  	s28 =	simm.s32 $_size_execute0_lowered;
	s3 =	sadd.s32 s3, s5;
	[dreg:$0x0] =	wrdreg $0x0  }
0xa8: {  	s5 =	sshll.u32 s28, $0x1;
	[dreg:$0x2] =	wrdreg s3  }
0xa9: {  	[dreg:$0x3] =	wrdreg s5  }
0xaa: {  	[dreg:$0x4] =	wrdreg $0xC0  }
0xab: {  	_ =	task [dreg:s7], $0x5FFFF  }
0xac: {  	[dreg:$0x1] =	wrdreg $0xFFFFFFFF  }
0xad: {  	[dreg:$0x0] =	wrdreg $0x60  }
0xae: {  	[dreg:$0x2] =	wrdreg s24  }
0xaf: {  	[dreg:$0x3] =	wrdreg s2  }
0xb0: {  	[dreg:$0x4] =	wrdreg $0x1A4000  }
0xb1: {  	[dreg:$0x5] =	wrdreg $0x9  }
0xb2: {  	_ =	task.clear_ibuf [dreg:s7], $0x6FFFF;
	_ =	strace $0x90000046  }
0xb3: {  	s29 =	simm.s32 $0x9;
	_ =	strace $0x80000048  }
0xb4: {  	_ =	swait.ge [sflag:s29], $0x1  }
0xb5: {  	[sflag:s29] =	ssyncadd.s32 $0xFFFFFFFF  }
0xb6: {  	_ =	strace $0x90000048  }
0xb7: {  	_ =	sfence  }
0xb8: {  	s30 =	sld [smem:$0x0];
	_ =	sdelay $0x2  }
0xb9: {  	s31 =	sshll.u32 s1, $0xD;
	s1 =	sshrl.u32 s1, $0x2  }
0xba: {  	s3 =	sand.u32 $0x4000, s31;
	s1 =	sadd.s32 s1, s30  }
0xbb: {  	s0 =	sor.u32 s3, s0;
	s1 =	sshll.u32 s1, $0x11  }
0xbc: {  	s0 =	sor.u32 s1, s0  }
0xbd: {  	s0 =	sadd.s32 $0x8F2B, s0  }
0xbe: {  	[sflag:s0] =	ssyncadd.remote.s32 $0x1  }
0xbf: {  	_ =	sfence.sel $0xFFFF  }
0xc0: {  	[dreg:$0x0] =	wrdreg $0xFFFFFFFF;
	(pc) =	sbr.abs _section_cstart, $3  }
0xc1: {  	[dreg:$0x1] =	wrdreg $0xFFFFFFFF  }
0xc2: {  	_ =	task.clear_ibuf [dreg:s7], $0x2FFFF;
	_ =	strace $0x9FFFFFFF  }
0xc3: {  	(tm) =	ssettm $0x7FFFFFFF  }
tec
execute0_lowered:
.L_overlay_start_1:
0x0: {  	(tag) =	ssettag $0x1  }
0x1: {  	s0 =	rddreg [dreg:$0x0]  }
0x2: {  	s2 =	rddreg [dreg:$0x1]  }
0x3: {  	s3 =	srdreg.scid;
	s4 =	stileid.u32  }
0x4: {  	s1 =	rddreg [dreg:$0x2];
	s6 =	simm.s32 $0x0;
	s11 =	simm.s32 $0x3  }
0x5: {  	s12 =	simm.s32 $0x80;
	s13 =	simm.s32 $0x6400;
	s28 =	simm.s32 $0x15400  }
0x6: {  	s30 =	simm.s32 $0x16400;
	s15 =	simm.s32 $0x18400;
	s17 =	simm.s32 $0x19400  }
0x7: {  	s18 =	simm.s32 $0x7400;
	s29 =	simm.s32 $0xC400;
	s3 =	sand.u32 $0x1, s3  }
0x8: {  	s5 =	sshll.u32 s4, $0x1;
	[smem:$0x7FF] =	sst s6;
	s9 =	smul.u32 $0xC800, s4  }
0x9: {  	s8 =	sadd.s32 $0x400, s0;
	s0 =	sadd.s32 $0xC00, s0;
	s24 =	smul.u32 $0xC8000, s4  }
0xa: {  	p0 =	sne.s32 s4, $0x0;
	s4 =	simm.s32 $0x20;
	s21 =	smul.u32 $0x6400, s3  }
0xb: {  	s5 =	sor.u32 s3, s5;
	s7 =	ssub.s32 $0x2, s3;
	s3 =	smul.u32 $0x64000, s3  }
0xc: {  	_ =	strace $0x80000047;
	[dreg:$0x4] =	wrdreg s8;
	s19 =	smul.u32 $0x6400, s5  }
0xd: {  	s5 =	smul.u32 $0x64000, s5;
	s20 =	sshrl.u32 s7, $0x1;
	s31 =	sadd.s32 s24, s0  }
0xe: {  	s24 =	simm.s32 $0xA400;
	s7 =	ssub.s32 s7, s20;
	s25 =	sadd.s32 s21, s9  }
0xf: {  	s21 =	simm.s32 $0x12400;
	s20 =	simm.s32 $0x8400;
	s6 =	sshrl.u32 s19, $0x3  }
0x10: {  	s22 =	smax.u32 s7, $0x1;
	s23 =	sadd.s32 s0, s5;
	s19 =	simm.s32 $0x11400  }
0x11: {  	s5 =	simm.s32 $0x2;
	s7 =	simm.s32 $0x0;
	s2 =	sadd.s32 s2, s6  }
0x12: {  	[dreg:$0x6] =	wrdreg s22;
	s26 =	sadd.s32 $0x5A000, s23;
	s6 =	sshll.u32 s25, $0x4  }
0x13: {  	s25 =	simm.s32 $0x14400;
	s22 =	simm.s32 $0x9400;
	[dreg:$0x5] =	wrdreg s2  }
0x14: {  	[dreg:$0x7] =	wrdreg s26;
	s2 =	sadd.s32 $0x5F000, s23;
	s0 =	sadd.s32 s0, s6  }
0x15: {  	s23 =	simm.s32 $0x13400;
	[dreg:$0x8] =	wrdreg s2;
	s2 =	sadd.s32 s3, s31  }
0x16: {  	s26 =	simm.s32 $0xB400;
	s0 =	sadd.s32 $0x5000, s0;
	[dreg:$0x9] =	wrdreg s2  }
0x17: {  	s3 =	simm.s32 $0x1;
	[dreg:$0xa] =	wrdreg s0;
	s0 =	sshrl.u32 @!p0 s1, $0x3  }
0x18: {  	s2 =	simm.s32 $0x17400;
	[dreg:$0xb] =	wrdreg s0;
	s0 =	simm.s32 $0x10400  }
.LBB2_1:
0x19: {  	[dreg:$0xc] =	wrdreg s7  }
0x1a: {  	s7 =	rddreg [dreg:$0x4]  }
0x1b: {  	s6 =	simm.s32 @!p0 $0x1C03;
	s8 =	rddreg [dreg:$0xb]  }
0x1c: {  	[spmem:s8], [sflag:s6] =	dma.local @!p0 [hbm:s7], $0x800  }
0x1d: {  	s6 =	simm.s32 @!p0 $0x3  }
0x1e: {  	_ =	swait.ge @!p0 [sflag:s6], $0x800  }
0x1f: {  	[sflag:s6] =	ssyncset.done @!p0 $0x0  }
0x20: {  	[sflag:s6] =	ssyncadd.s32 @!p0 $0xFFFFF800  }
0x21: {  	[bflag:$0x0] =	sbarrier.arrive $0xFFFF  }
0x22: {  	s8 =	simm.s32 $0x0;
	s9 =	rddreg [dreg:$0x5]  }
0x23: {  	[tilespmem:s8], [sflag:$0x3] =	stream.linear.gather [hbm4b:s9+s8], $0x6400, $0x38;
	[tilespmem:$0x1A800] =	vst v63  }
0x24: {  	_ =	swait.ge [sflag:s11], $0x6400  }
0x25: {  	[sflag:s11] =	ssyncset.done $0x0  }
0x26: {  	[sflag:s11] =	ssyncadd.s32 $0xFFFF9C00  }
0x27: {  	[tilespmem:s13], [sflag:$0x1] =	stream.indirect.gather [spmem:s1], $0x20, s8, s12, $0xb8;
	[tilespmem:$0x1A800] =	vst v63  }
0x28: {  	s7 =	simm.s32 $0x7400  }
0x29: {  	[tilespmem:s7], [sflag:$0x1] =	stream.indirect.gather [spmem:s1], $0x20, s12, s12, $0xb8;
	[tilespmem:$0x1A800] =	vst v63  }
0x2a: {  	s10 =	simm.s32 $0x100;
	s9 =	simm.s32 $0x8400  }
0x2b: {  	[tilespmem:s9], [sflag:$0x1] =	stream.indirect.gather [spmem:s1], $0x20, s10, s12, $0xb8;
	[tilespmem:$0x1A800] =	vst v63  }
0x2c: {  	s14 =	simm.s32 $0x180;
	s10 =	simm.s32 $0x9400  }
0x2d: {  	[tilespmem:s10], [sflag:$0x1] =	stream.indirect.gather [spmem:s1], $0x20, s14, s12, $0xb8;
	[tilespmem:$0x1A800] =	vst v63  }
0x2e: {  	s16 =	simm.s32 $0x200;
	s14 =	simm.s32 $0xA400  }
0x2f: {  	[tilespmem:s14], [sflag:$0x1] =	stream.indirect.gather [spmem:s1], $0x20, s16, s12, $0xb8;
	[tilespmem:$0x1A800] =	vst v63  }
0x30: {  	s8 =	simm.s32 $0x280;
	s16 =	simm.s32 $0xB400  }
0x31: {  	[tilespmem:s16], [sflag:$0x1] =	stream.indirect.gather [spmem:s1], $0x20, s8, s12, $0xb8;
	[tilespmem:$0x1A800] =	vst v63  }
0x32: {  	s31 =	simm.s32 $0xC400;
	s8 =	simm.s32 $0x300  }
0x33: {  	[tilespmem:s31], [sflag:$0x1] =	stream.indirect.gather [spmem:s1], $0x20, s8, s12, $0xb8;
	[tilespmem:$0x1A800] =	vst v63  }
0x34: {  	s6 =	simm.s32 $0x380;
	s8 =	simm.s32 $0xD400  }
0x35: {  	[tilespmem:s8], [sflag:$0x1] =	stream.indirect.gather [spmem:s1], $0x20, s6, s12, $0xb8;
	[tilespmem:$0x1A800] =	vst v63  }
0x36: {  	s6 =	simm.s32 $0x400;
	s8 =	simm.s32 $0xE400  }
0x37: {  	[tilespmem:s8], [sflag:$0x1] =	stream.indirect.gather [spmem:s1], $0x20, s6, s12, $0xb8;
	[tilespmem:$0x1A800] =	vst v63  }
0x38: {  	s6 =	simm.s32 $0x480;
	s8 =	simm.s32 $0xF400  }
0x39: {  	[tilespmem:s8], [sflag:$0x1] =	stream.indirect.gather [spmem:s1], $0x20, s6, s12, $0xb8;
	[tilespmem:$0x1A800] =	vst v63  }
0x3a: {  	s8 =	simm.s32 $0x500  }
0x3b: {  	[tilespmem:s0], [sflag:$0x2] =	stream.indirect.gather [spmem:s1], $0x20, s8, s12, $0xb8;
	[tilespmem:$0x1A800] =	vst v63  }
0x3c: {  	s8 =	simm.s32 $0x580  }
0x3d: {  	[tilespmem:s19], [sflag:$0x2] =	stream.indirect.gather [spmem:s1], $0x20, s8, s12, $0xb8;
	[tilespmem:$0x1A800] =	vst v63  }
0x3e: {  	s8 =	simm.s32 $0x600  }
0x3f: {  	[tilespmem:s21], [sflag:$0x2] =	stream.indirect.gather [spmem:s1], $0x20, s8, s12, $0xb8;
	[tilespmem:$0x1A800] =	vst v63  }
0x40: {  	s8 =	simm.s32 $0x680  }
0x41: {  	[tilespmem:s23], [sflag:$0x2] =	stream.indirect.gather [spmem:s1], $0x20, s8, s12, $0xb8;
	[tilespmem:$0x1A800] =	vst v63  }
0x42: {  	s8 =	simm.s32 $0x700  }
0x43: {  	[tilespmem:s25], [sflag:$0x2] =	stream.indirect.gather [spmem:s1], $0x20, s8, s12, $0xb8;
	[tilespmem:$0x1A800] =	vst v63  }
0x44: {  	s8 =	simm.s32 $0x780  }
0x45: {  	[tilespmem:s28], [sflag:$0x2] =	stream.indirect.gather [spmem:s1], $0x20, s8, s12, $0xb8;
	[tilespmem:$0x1A800] =	vst v63  }
0x46: {  	s8 =	simm.s32 $0x800  }
0x47: {  	[tilespmem:s30], [sflag:$0x2] =	stream.indirect.gather [spmem:s1], $0x20, s8, s12, $0xb8;
	[tilespmem:$0x1A800] =	vst v63  }
0x48: {  	s8 =	simm.s32 $0x880  }
0x49: {  	[tilespmem:s2], [sflag:$0x2] =	stream.indirect.gather [spmem:s1], $0x20, s8, s12, $0xb8;
	[tilespmem:$0x1A800] =	vst v63  }
0x4a: {  	s8 =	simm.s32 $0x900  }
0x4b: {  	[tilespmem:s15], [sflag:$0x2] =	stream.indirect.gather [spmem:s1], $0x20, s8, s12, $0xb8;
	[tilespmem:$0x1A800] =	vst v63  }
0x4c: {  	s8 =	simm.s32 $0x980  }
0x4d: {  	[tilespmem:s17], [sflag:$0x2] =	stream.indirect.gather [spmem:s1], $0x20, s8, s12, $0xb8;
	[tilespmem:$0x1A800] =	vst v63  }
0x4e: {  	_ =	swait.ge [sflag:s3], $0xA000  }
0x4f: {  	[sflag:s3] =	ssyncset.done $0x0  }
0x50: {  	s8 =	rddreg [dreg:$0x9];
	[sflag:s3] =	ssyncadd.s32 $0xFFFF6000  }
0x51: {  	[hbm4b:s8+s4] =	stream.strided.scatter [tilespmem:s13], [sflag:$0x3], $0xA000, s12, s4, $0x38;
	[tilespmem:$0x1A800] =	vst v63  }
0x52: {  	_ =	swait.ge [sflag:s11], $0xA000  }
0x53: {  	[sflag:s11] =	ssyncset.done $0x0  }
0x54: {  	s6 =	simm.s32 $0xA00;
	[sflag:s11] =	ssyncadd.s32 $0xFFFF6000  }
0x55: {  	[tilespmem:s13], [sflag:$0x1] =	stream.indirect.gather [spmem:s1], $0x20, s6, s12, $0xb8;
	[tilespmem:$0x1A800] =	vst v63  }
0x56: {  	s6 =	simm.s32 $0xA80  }
0x57: {  	[tilespmem:s7], [sflag:$0x1] =	stream.indirect.gather [spmem:s1], $0x20, s6, s12, $0xb8;
	[tilespmem:$0x1A800] =	vst v63  }
0x58: {  	s7 =	simm.s32 $0xB00  }
0x59: {  	[tilespmem:s9], [sflag:$0x1] =	stream.indirect.gather [spmem:s1], $0x20, s7, s12, $0xb8;
	[tilespmem:$0x1A800] =	vst v63  }
0x5a: {  	s9 =	simm.s32 $0xB80  }
0x5b: {  	[tilespmem:s10], [sflag:$0x1] =	stream.indirect.gather [spmem:s1], $0x20, s9, s12, $0xb8;
	[tilespmem:$0x1A800] =	vst v63  }
0x5c: {  	s7 =	simm.s32 $0xC00  }
0x5d: {  	[tilespmem:s14], [sflag:$0x1] =	stream.indirect.gather [spmem:s1], $0x20, s7, s12, $0xb8;
	[tilespmem:$0x1A800] =	vst v63  }
0x5e: {  	s9 =	simm.s32 $0xC80  }
0x5f: {  	[tilespmem:s16], [sflag:$0x1] =	stream.indirect.gather [spmem:s1], $0x20, s9, s12, $0xb8;
	[tilespmem:$0x1A800] =	vst v63  }
0x60: {  	s10 =	simm.s32 $0xD00  }
0x61: {  	[tilespmem:s31], [sflag:$0x1] =	stream.indirect.gather [spmem:s1], $0x20, s10, s12, $0xb8;
	[tilespmem:$0x1A800] =	vst v63  }
0x62: {  	s14 =	simm.s32 $0xD80;
	s16 =	simm.s32 $0xD400  }
0x63: {  	[tilespmem:s16], [sflag:$0x1] =	stream.indirect.gather [spmem:s1], $0x20, s14, s12, $0xb8;
	[tilespmem:$0x1A800] =	vst v63  }
0x64: {  	s7 =	simm.s32 $0xE00;
	s9 =	simm.s32 $0xE400  }
0x65: {  	[tilespmem:s9], [sflag:$0x1] =	stream.indirect.gather [spmem:s1], $0x20, s7, s12, $0xb8;
	[tilespmem:$0x1A800] =	vst v63  }
0x66: {  	s10 =	simm.s32 $0xE80;
	s14 =	simm.s32 $0xF400  }
0x67: {  	[tilespmem:s14], [sflag:$0x1] =	stream.indirect.gather [spmem:s1], $0x20, s10, s12, $0xb8;
	[tilespmem:$0x1A800] =	vst v63  }
0x68: {  	_ =	swait.ge [sflag:s5], $0xA000  }
0x69: {  	[sflag:s5] =	ssyncset.done $0x0  }
0x6a: {  	s8 =	sadd.s32 $0xA000, s8;
	s16 =	rddreg [dreg:$0xa];
	[sflag:s5] =	ssyncadd.s32 $0xFFFF6000  }
0x6b: {  	[hbm4b:s16+s4] =	stream.strided.scatter [tilespmem:s0], [sflag:$0x3], $0xA000, s12, s4, $0x38;
	[tilespmem:$0x1A800] =	vst v63  }
0x6c: {  	s31 =	simm.s32 $0xD400;
	s9 =	simm.s32 $0x5000;
	_ =	swait.ge [sflag:s11], $0xA000  }
0x6d: {  	s10 =	simm.s32 $0xA00;
	s7 =	sadd.s32 $0xA000, s16;
	[sflag:s11] =	ssyncset.done $0x0  }
.LBB2_2:
0x6e: {  	s16 =	sadd.s32 $0x500, s10  }
0x6f: {  	[sflag:s11] =	ssyncadd.s32 $0xFFFF6000;
	s6 =	smov.u32 s9;
	s14 =	sadd.s32 $0x2800, s9  }
0x70: {  	[tilespmem:s0], [sflag:$0x2] =	stream.indirect.gather [spmem:s1], $0x20, s16, s12, $0xb8;
	[tilespmem:$0x1A800] =	vst v63  }
0x71: {  	p1 =	sne.s32 s9, $0x14000;
	s9 =	sadd.s32 $0x580, s10  }
0x72: {  	[tilespmem:s19], [sflag:$0x2] =	stream.indirect.gather [spmem:s1], $0x20, s9, s12, $0xb8;
	[tilespmem:$0x1A800] =	vst v63  }
0x73: {  	s9 =	sadd.s32 $0x600, s10  }
0x74: {  	[tilespmem:s21], [sflag:$0x2] =	stream.indirect.gather [spmem:s1], $0x20, s9, s12, $0xb8;
	[tilespmem:$0x1A800] =	vst v63  }
0x75: {  	s9 =	sadd.s32 $0x680, s10  }
0x76: {  	[tilespmem:s23], [sflag:$0x2] =	stream.indirect.gather [spmem:s1], $0x20, s9, s12, $0xb8;
	[tilespmem:$0x1A800] =	vst v63  }
0x77: {  	s9 =	sadd.s32 $0x700, s10  }
0x78: {  	[tilespmem:s25], [sflag:$0x2] =	stream.indirect.gather [spmem:s1], $0x20, s9, s12, $0xb8;
	[tilespmem:$0x1A800] =	vst v63  }
0x79: {  	s9 =	sadd.s32 $0x780, s10  }
0x7a: {  	[tilespmem:s28], [sflag:$0x2] =	stream.indirect.gather [spmem:s1], $0x20, s9, s12, $0xb8;
	[tilespmem:$0x1A800] =	vst v63  }
0x7b: {  	s9 =	sadd.s32 $0x800, s10  }
0x7c: {  	[tilespmem:s30], [sflag:$0x2] =	stream.indirect.gather [spmem:s1], $0x20, s9, s12, $0xb8;
	[tilespmem:$0x1A800] =	vst v63  }
0x7d: {  	s9 =	sadd.s32 $0x880, s10  }
0x7e: {  	[tilespmem:s2], [sflag:$0x2] =	stream.indirect.gather [spmem:s1], $0x20, s9, s12, $0xb8;
	[tilespmem:$0x1A800] =	vst v63  }
0x7f: {  	s9 =	sadd.s32 $0x900, s10  }
0x80: {  	[tilespmem:s15], [sflag:$0x2] =	stream.indirect.gather [spmem:s1], $0x20, s9, s12, $0xb8;
	[tilespmem:$0x1A800] =	vst v63  }
0x81: {  	s9 =	sadd.s32 $0x980, s10  }
0x82: {  	[tilespmem:s17], [sflag:$0x2] =	stream.indirect.gather [spmem:s1], $0x20, s9, s12, $0xb8;
	[tilespmem:$0x1A800] =	vst v63  }
0x83: {  	_ =	swait.ge [sflag:s3], $0xA000  }
0x84: {  	[sflag:s3] =	ssyncset.done $0x0  }
0x85: {  	[sflag:s3] =	ssyncadd.s32 $0xFFFF6000  }
0x86: {  	[hbm4b:s8+s4] =	stream.strided.scatter [tilespmem:s13], [sflag:$0x3], $0xA000, s12, s4, $0x38;
	[tilespmem:$0x1A800] =	vst v63  }
0x87: {  	_ =	swait.ge [sflag:s11], $0xA000  }
0x88: {  	[sflag:s11] =	ssyncset.done $0x0  }
0x89: {  	s9 =	sadd.s32 $0xA00, s10;
	[sflag:s11] =	ssyncadd.s32 $0xFFFF6000  }
0x8a: {  	[tilespmem:s13], [sflag:$0x1] =	stream.indirect.gather [spmem:s1], $0x20, s9, s12, $0xb8;
	[tilespmem:$0x1A800] =	vst v63  }
0x8b: {  	s9 =	sadd.s32 $0xA80, s10  }
0x8c: {  	[tilespmem:s18], [sflag:$0x1] =	stream.indirect.gather [spmem:s1], $0x20, s9, s12, $0xb8;
	[tilespmem:$0x1A800] =	vst v63  }
0x8d: {  	s9 =	sadd.s32 $0xB00, s10  }
0x8e: {  	[tilespmem:s20], [sflag:$0x1] =	stream.indirect.gather [spmem:s1], $0x20, s9, s12, $0xb8;
	[tilespmem:$0x1A800] =	vst v63  }
0x8f: {  	s9 =	sadd.s32 $0xB80, s10  }
0x90: {  	[tilespmem:s22], [sflag:$0x1] =	stream.indirect.gather [spmem:s1], $0x20, s9, s12, $0xb8;
	[tilespmem:$0x1A800] =	vst v63  }
0x91: {  	s9 =	sadd.s32 $0xC00, s10  }
0x92: {  	[tilespmem:s24], [sflag:$0x1] =	stream.indirect.gather [spmem:s1], $0x20, s9, s12, $0xb8;
	[tilespmem:$0x1A800] =	vst v63  }
0x93: {  	s9 =	sadd.s32 $0xC80, s10  }
0x94: {  	[tilespmem:s26], [sflag:$0x1] =	stream.indirect.gather [spmem:s1], $0x20, s9, s12, $0xb8;
	[tilespmem:$0x1A800] =	vst v63  }
0x95: {  	s9 =	sadd.s32 $0xD00, s10  }
0x96: {  	[tilespmem:s29], [sflag:$0x1] =	stream.indirect.gather [spmem:s1], $0x20, s9, s12, $0xb8;
	[tilespmem:$0x1A800] =	vst v63  }
0x97: {  	s9 =	sadd.s32 $0xD80, s10  }
0x98: {  	[tilespmem:s31], [sflag:$0x1] =	stream.indirect.gather [spmem:s1], $0x20, s9, s12, $0xb8;
	[tilespmem:$0x1A800] =	vst v63  }
0x99: {  	s16 =	simm.s32 $0xE400;
	s9 =	sadd.s32 $0xE00, s10  }
0x9a: {  	[tilespmem:s16], [sflag:$0x1] =	stream.indirect.gather [spmem:s1], $0x20, s9, s12, $0xb8;
	[tilespmem:$0x1A800] =	vst v63  }
0x9b: {  	s9 =	sadd.s32 $0xE80, s10;
	s10 =	simm.s32 $0xF400  }
0x9c: {  	[tilespmem:s10], [sflag:$0x1] =	stream.indirect.gather [spmem:s1], $0x20, s9, s12, $0xb8;
	[tilespmem:$0x1A800] =	vst v63  }
0x9d: {  	_ =	swait.ge [sflag:s5], $0xA000  }
.Ltmp0:
0x9e: {  	[sflag:s5] =	ssyncset.done $0x0;
	(pc) =	sbr.rel @p1 .LBB2_2-.Ltmp0, $4  }
0x9f: {  	[sflag:s5] =	ssyncadd.s32 $0xFFFF6000  }
0xa0: {  	[hbm4b:s7+s4] =	stream.strided.scatter [tilespmem:s0], [sflag:$0x3], $0xA000, s12, s4, $0x38;
	[tilespmem:$0x1A800] =	vst v63  }
0xa1: {  	s8 =	sadd.s32 $0xA000, s8;
	s7 =	sadd.s32 $0xA000, s7;
	_ =	swait.ge [sflag:s11], $0xA000  }
0xa2: {  	s10 =	sshra.s32 s6, $0x2;
	s9 =	smov.u32 s14;
	[sflag:s11] =	ssyncset.done $0x0  }
0xa3: {  	s6 =	sadd.s32 $0x500, s10;
	[sflag:s11] =	ssyncadd.s32 $0xFFFF6000  }
0xa4: {  	[tilespmem:s0], [sflag:$0x2] =	stream.indirect.gather [spmem:s1], $0x20, s6, s12, $0xb8;
	[tilespmem:$0x1A800] =	vst v63  }
0xa5: {  	s14 =	sadd.s32 $0x580, s10;
	s21 =	simm.s32 $0x11400  }
0xa6: {  	[tilespmem:s21], [sflag:$0x2] =	stream.indirect.gather [spmem:s1], $0x20, s14, s12, $0xb8;
	[tilespmem:$0x1A800] =	vst v63  }
0xa7: {  	s15 =	sadd.s32 $0x600, s10;
	s23 =	simm.s32 $0x12400  }
0xa8: {  	[tilespmem:s23], [sflag:$0x2] =	stream.indirect.gather [spmem:s1], $0x20, s15, s12, $0xb8;
	[tilespmem:$0x1A800] =	vst v63  }
0xa9: {  	s16 =	sadd.s32 $0x680, s10;
	s25 =	simm.s32 $0x13400  }
0xaa: {  	[tilespmem:s25], [sflag:$0x2] =	stream.indirect.gather [spmem:s1], $0x20, s16, s12, $0xb8;
	[tilespmem:$0x1A800] =	vst v63  }
0xab: {  	s17 =	sadd.s32 $0x700, s10;
	s2 =	simm.s32 $0x14400  }
0xac: {  	[tilespmem:s2], [sflag:$0x2] =	stream.indirect.gather [spmem:s1], $0x20, s17, s12, $0xb8;
	[tilespmem:$0x1A800] =	vst v63  }
0xad: {  	s19 =	sadd.s32 $0x780, s10;
	s15 =	simm.s32 $0x15400  }
0xae: {  	[tilespmem:s15], [sflag:$0x2] =	stream.indirect.gather [spmem:s1], $0x20, s19, s12, $0xb8;
	[tilespmem:$0x1A800] =	vst v63  }
0xaf: {  	s9 =	sadd.s32 $0x800, s10;
	s17 =	simm.s32 $0x16400  }
0xb0: {  	[tilespmem:s17], [sflag:$0x2] =	stream.indirect.gather [spmem:s1], $0x20, s9, s12, $0xb8;
	[tilespmem:$0x1A800] =	vst v63  }
0xb1: {  	s14 =	sadd.s32 $0x880, s10;
	s9 =	simm.s32 $0x17400  }
0xb2: {  	[tilespmem:s9], [sflag:$0x2] =	stream.indirect.gather [spmem:s1], $0x20, s14, s12, $0xb8;
	[tilespmem:$0x1A800] =	vst v63  }
0xb3: {  	s16 =	sadd.s32 $0x900, s10;
	s14 =	simm.s32 $0x18400  }
0xb4: {  	[tilespmem:s14], [sflag:$0x2] =	stream.indirect.gather [spmem:s1], $0x20, s16, s12, $0xb8;
	[tilespmem:$0x1A800] =	vst v63  }
0xb5: {  	s19 =	sadd.s32 $0x980, s10;
	s16 =	simm.s32 $0x19400  }
0xb6: {  	[tilespmem:s16], [sflag:$0x2] =	stream.indirect.gather [spmem:s1], $0x20, s19, s12, $0xb8;
	[tilespmem:$0x1A800] =	vst v63  }
0xb7: {  	_ =	swait.ge [sflag:s3], $0xA000  }
0xb8: {  	[sflag:s3] =	ssyncset.done $0x0  }
0xb9: {  	[sflag:s3] =	ssyncadd.s32 $0xFFFF6000  }
0xba: {  	[hbm4b:s8+s4] =	stream.strided.scatter [tilespmem:s13], [sflag:$0x3], $0xA000, s12, s4, $0x38;
	[tilespmem:$0x1A800] =	vst v63  }
0xbb: {  	_ =	swait.ge [sflag:s11], $0xA000  }
0xbc: {  	[sflag:s11] =	ssyncset.done $0x0  }
0xbd: {  	s19 =	sadd.s32 $0xA00, s10;
	[sflag:s11] =	ssyncadd.s32 $0xFFFF6000  }
0xbe: {  	[tilespmem:s13], [sflag:$0x1] =	stream.indirect.gather [spmem:s1], $0x20, s19, s12, $0xb8;
	[tilespmem:$0x1A800] =	vst v63  }
0xbf: {  	s8 =	sadd.s32 $0xA80, s10  }
0xc0: {  	[tilespmem:s18], [sflag:$0x1] =	stream.indirect.gather [spmem:s1], $0x20, s8, s12, $0xb8;
	[tilespmem:$0x1A800] =	vst v63  }
0xc1: {  	s19 =	sadd.s32 $0xB00, s10  }
0xc2: {  	[tilespmem:s20], [sflag:$0x1] =	stream.indirect.gather [spmem:s1], $0x20, s19, s12, $0xb8;
	[tilespmem:$0x1A800] =	vst v63  }
0xc3: {  	s8 =	sadd.s32 $0xB80, s10  }
0xc4: {  	[tilespmem:s22], [sflag:$0x1] =	stream.indirect.gather [spmem:s1], $0x20, s8, s12, $0xb8;
	[tilespmem:$0x1A800] =	vst v63  }
0xc5: {  	s19 =	sadd.s32 $0xC00, s10  }
0xc6: {  	[tilespmem:s24], [sflag:$0x1] =	stream.indirect.gather [spmem:s1], $0x20, s19, s12, $0xb8;
	[tilespmem:$0x1A800] =	vst v63  }
0xc7: {  	s8 =	sadd.s32 $0xC80, s10  }
0xc8: {  	[tilespmem:s26], [sflag:$0x1] =	stream.indirect.gather [spmem:s1], $0x20, s8, s12, $0xb8;
	[tilespmem:$0x1A800] =	vst v63  }
0xc9: {  	s19 =	sadd.s32 $0xD00, s10  }
0xca: {  	[tilespmem:s29], [sflag:$0x1] =	stream.indirect.gather [spmem:s1], $0x20, s19, s12, $0xb8;
	[tilespmem:$0x1A800] =	vst v63  }
0xcb: {  	s8 =	sadd.s32 $0xD80, s10  }
0xcc: {  	[tilespmem:s31], [sflag:$0x1] =	stream.indirect.gather [spmem:s1], $0x20, s8, s12, $0xb8;
	[tilespmem:$0x1A800] =	vst v63  }
0xcd: {  	s19 =	sadd.s32 $0xE00, s10;
	s31 =	simm.s32 $0xE400  }
0xce: {  	[tilespmem:s31], [sflag:$0x1] =	stream.indirect.gather [spmem:s1], $0x20, s19, s12, $0xb8;
	[tilespmem:$0x1A800] =	vst v63  }
0xcf: {  	s8 =	sadd.s32 $0xE80, s10;
	s10 =	simm.s32 $0xF400  }
0xd0: {  	[tilespmem:s10], [sflag:$0x1] =	stream.indirect.gather [spmem:s1], $0x20, s8, s12, $0xb8;
	[tilespmem:$0x1A800] =	vst v63  }
0xd1: {  	_ =	swait.ge [sflag:s5], $0xA000  }
0xd2: {  	[sflag:s5] =	ssyncset.done $0x0  }
0xd3: {  	[sflag:s5] =	ssyncadd.s32 $0xFFFF6000  }
0xd4: {  	[hbm4b:s7+s4] =	stream.strided.scatter [tilespmem:s0], [sflag:$0x3], $0xA000, s12, s4, $0x38;
	[tilespmem:$0x1A800] =	vst v63  }
0xd5: {  	_ =	swait.ge [sflag:s11], $0xA000  }
0xd6: {  	[sflag:s11] =	ssyncset.done $0x0  }
0xd7: {  	s19 =	simm.s32 $0x5F00;
	[sflag:s11] =	ssyncadd.s32 $0xFFFF6000  }
0xd8: {  	[tilespmem:s0], [sflag:$0x2] =	stream.indirect.gather [spmem:s1], $0x20, s19, s12, $0xb8;
	[tilespmem:$0x1A800] =	vst v63  }
0xd9: {  	s31 =	simm.s32 $0x5F80  }
0xda: {  	[tilespmem:s21], [sflag:$0x2] =	stream.indirect.gather [spmem:s1], $0x20, s31, s12, $0xb8;
	[tilespmem:$0x1A800] =	vst v63  }
0xdb: {  	s7 =	simm.s32 $0x6000  }
0xdc: {  	[tilespmem:s23], [sflag:$0x2] =	stream.indirect.gather [spmem:s1], $0x20, s7, s12, $0xb8;
	[tilespmem:$0x1A800] =	vst v63  }
0xdd: {  	s8 =	simm.s32 $0x6080  }
0xde: {  	[tilespmem:s25], [sflag:$0x2] =	stream.indirect.gather [spmem:s1], $0x20, s8, s12, $0xb8;
	[tilespmem:$0x1A800] =	vst v63  }
0xdf: {  	s10 =	simm.s32 $0x6100  }
0xe0: {  	[tilespmem:s2], [sflag:$0x2] =	stream.indirect.gather [spmem:s1], $0x20, s10, s12, $0xb8;
	[tilespmem:$0x1A800] =	vst v63  }
0xe1: {  	s31 =	simm.s32 $0x6180  }
0xe2: {  	[tilespmem:s15], [sflag:$0x2] =	stream.indirect.gather [spmem:s1], $0x20, s31, s12, $0xb8;
	[tilespmem:$0x1A800] =	vst v63  }
0xe3: {  	s6 =	simm.s32 $0x6200  }
0xe4: {  	[tilespmem:s17], [sflag:$0x2] =	stream.indirect.gather [spmem:s1], $0x20, s6, s12, $0xb8;
	[tilespmem:$0x1A800] =	vst v63  }
0xe5: {  	s7 =	simm.s32 $0x6280  }
0xe6: {  	[tilespmem:s9], [sflag:$0x2] =	stream.indirect.gather [spmem:s1], $0x20, s7, s12, $0xb8;
	[tilespmem:$0x1A800] =	vst v63  }
0xe7: {  	s8 =	simm.s32 $0x6300  }
0xe8: {  	[tilespmem:s14], [sflag:$0x2] =	stream.indirect.gather [spmem:s1], $0x20, s8, s12, $0xb8;
	[tilespmem:$0x1A800] =	vst v63  }
0xe9: {  	s9 =	simm.s32 $0x6380  }
0xea: {  	[tilespmem:s16], [sflag:$0x2] =	stream.indirect.gather [spmem:s1], $0x20, s9, s12, $0xb8;
	[tilespmem:$0x1A800] =	vst v63  }
0xeb: {  	_ =	swait.ge [sflag:s3], $0xA000  }
0xec: {  	[sflag:s3] =	ssyncset.done $0x0  }
0xed: {  	s10 =	rddreg [dreg:$0x7];
	[sflag:s3] =	ssyncadd.s32 $0xFFFF6000  }
0xee: {  	[hbm4b:s10+s4] =	stream.strided.scatter [tilespmem:s13], [sflag:$0x3], $0xA000, s12, s4, $0x38;
	[tilespmem:$0x1A800] =	vst v63  }
0xef: {  	_ =	swait.ge [sflag:s11], $0xA000  }
0xf0: {  	[sflag:s11] =	ssyncset.done $0x0  }
0xf1: {  	[sflag:s11] =	ssyncadd.s32 $0xFFFF6000  }
0xf2: {  	_ =	swait.ge [sflag:s5], $0xA000  }
0xf3: {  	[sflag:s5] =	ssyncset.done $0x0  }
0xf4: {  	s14 =	rddreg [dreg:$0x8];
	[sflag:s5] =	ssyncadd.s32 $0xFFFF6000  }
0xf5: {  	[hbm4b:s14+s4] =	stream.strided.scatter [tilespmem:s0], [sflag:$0x3], $0xA000, s12, s4, $0x38;
	[tilespmem:$0x1A800] =	vst v63  }
0xf6: {  	_ =	swait.ge [sflag:s11], $0xA000  }
0xf7: {  	s16 =	rddreg [dreg:$0xc]  }
0xf8: {  	s31 =	rddreg [dreg:$0x6];
	s7 =	sadd.s32 $0x1, s16  }
0xf9: {  	p1 =	sne.s32 s7, s31  }
.Ltmp1:
0xfa: {  	_ = 	snop;
	(pc) =	sbr.rel @p1 .LBB2_1-.Ltmp1, $4  }
0xfb: {  	s28 =	simm.s32 $0x15400;
	s30 =	simm.s32 $0x16400  }
0xfc: {  	s19 =	simm.s32 $0x11400;
	s21 =	simm.s32 $0x12400;
	s23 =	simm.s32 $0x13400  }
0xfd: {  	s25 =	simm.s32 $0x14400;
	s2 =	simm.s32 $0x17400;
	[sflag:s11] =	ssyncset.done $0x0  }
0xfe: {  	s15 =	simm.s32 $0x18400;
	s17 =	simm.s32 $0x19400;
	[sflag:s11] =	ssyncadd.s32 $0xFFFF6000  }
0xff: {  	_ =	sfence.sel $0x180000  }
0x100: {  	[bflag:$0x0] =	sbarrier.arrive $0xFFFF  }
0x101: {  	_ =	strace $0x90000047  }
0x102: {  	[bflag:$0x2] =	sbarrier.arrive $0xFFFF  }
0x103: {  	s0 =	rddreg [dreg:$0x3]  }
0x104: {  	s0 =	sadd.s32 @!p0 $0x100000, s0  }
0x105: {  	[sflag:s0] =	ssyncadd.tile.s32 @!p0 $0x1;
	_ =	shalt  }
.Lfunc_end2:
_tile_overlayer_lowered:
.L_overlay_start_2:
0x106: {  	(tag) =	ssettag $0x2  }
0x107: {  	s0 =	rddreg [dreg:$0x0];
	s2 =	stileid.u32  }
0x108: {  	s1 =	rddreg [dreg:$0x1];
	p0 =	sne.s32 s2, $0x0  }
0x109: {  	s3 =	rddreg [dreg:$0x2];
	[bflag:$0x3] =	sbarrier.arrive $0xFFFF;
	s2 =	simm.s32 @!p0 $0x1C03  }
0x10a: {  	[timem:s3], [sflag:s2] =	dma.local @!p0 [hbm:s0], s1  }
0x10b: {  	s0 =	simm.s32 @!p0 $0x3  }
0x10c: {  	_ =	swait.ge @!p0 [sflag:s0], s1  }
0x10d: {  	s1 =	ssub.s32 @!p0 $0x0, s1;
	[sflag:s0] =	ssyncset.done @!p0 $0x0  }
0x10e: {  	[sflag:s0] =	ssyncadd.s32 @!p0 s1  }
0x10f: {  	[bflag:$0x3] =	sbarrier.arrive $0xFFFF  }
0x110: {  	_ =	shalt  }

// kernel: sparse-core-data-format-call.cloned.1.call-start
scs
called_computation_lowered:
.L_overlay_start_0:
0x0: {  	s2 =	sld [smem:$0x3FD9]  }
0x1: {  	s3 =	sld [smem:$0x3FFE];
	_ =	sdelay $0x1  }
0x2: {  	s1 =	srdreg.scid  }
0x3: {  	s0 =	sand.u32 $0x1, s1  }
0x4: {  	s18 =	sshll.u32 s0, $0xA;
	s2 =	sadd.s32 s3, s2  }
0x5: {  	s2 =	sadd.s32 s2, s18  }
0x6: {  	[smem:$0x3FC4] =	sst s2  }
0x7: {  	_ = 	snop  }
0x8: {  	s2 =	sld [smem:$0x3FD0];
	(tm) =	ssettm $0x1  }
0x9: {  	s19 =	sld [smem:$0x3FFB];
	_ =	sdelay $0x3  }
0xa: {  	_ =	strace s19  }
0xb: {  	s3 =	sld [smem:$0x3FFC];
	_ =	sdelay $0x3  }
0xc: {  	_ =	strace s3  }
0xd: {  	s3 =	sld [smem:$0x3FFD];
	_ =	sdelay $0x3  }
0xe: {  	_ =	strace s3  }
0xf: {  	_ =	strace $0x8FFFFFFF  }
0x10: {  	s20 =	sld [smem:$0x3FDB];
	_ =	sdelay $0x1  }
0x11: {  	s4 =	simm.s32 $_scs_section_size  }
0x12: {  	s5 =	simm.s32 $_size__tile_overlayer_lowered;
	s6 =	simm.s32 $_tile_overlayer_lowered  }
0x13: {  	s23 =	simm.s32 $0x1BFF;
	s22 =	sshll.u32 s6, $0x1;
	s3 =	sadd.s32 s4, s20  }
0x14: {  	s7 =	simm.s32 $0x0;
	s21 =	sshll.u32 s5, $0x1;
	s5 =	sadd.s32 s22, s3  }
0x15: {  	[timem:s7], [sflag:s23] =	dma.local [hbm:s5], s21  }
0x16: {  	_ =	swait.ge [sflag:s23], s21  }
0x17: {  	s4 =	ssub.s32 $0x0, s21;
	[sflag:s23] =	ssyncset.done $0x0  }
0x18: {  	[sflag:s23] =	ssyncadd.s32 s4;
	_ =	sdelay $0x1  }
0x19: {  	s24 =	simm.s32 $0x1B8B  }
0x1a: {  	_ =	swait.ge [sflag:s24], $0x1  }
0x1b: {  	[sflag:s24] =	ssyncset.done $0x0  }
0x1c: {  	s26 =	simm.s32 $0x1B8E;
	s25 =	sld [smem:$0x3FFE];
	[sflag:s24] =	ssyncadd.s32 $0xFFFFFFFF  }
0x1d: {  	s27 =	simm.s32 $execute0_lowered;
	[smem:$0x3FD2] =	sst s26  }
0x1e: {  	s5 =	sshll.u32 s27, $0x1;
	_ =	strace $0x80000049;
	[dreg:$0x1] =	wrdreg $0xFFFFFFFF  }
0x1f: {  	s28 =	simm.s32 $_size_execute0_lowered;
	s3 =	sadd.s32 s3, s5;
	[dreg:$0x0] =	wrdreg $0x0  }
0x20: {  	s5 =	sshll.u32 s28, $0x1;
	[dreg:$0x2] =	wrdreg s3  }
0x21: {  	[dreg:$0x3] =	wrdreg s5  }
0x22: {  	[dreg:$0x4] =	wrdreg $0xC0  }
0x23: {  	_ =	task [dreg:s7], $0x5FFFF  }
0x24: {  	[dreg:$0x1] =	wrdreg $0xFFFFFFFF  }
0x25: {  	[dreg:$0x0] =	wrdreg $0x60  }
0x26: {  	[dreg:$0x2] =	wrdreg s25  }
0x27: {  	[dreg:$0x3] =	wrdreg s2  }
0x28: {  	[dreg:$0x4] =	wrdreg $0x9  }
0x29: {  	_ =	task.clear_ibuf [dreg:s7], $0x5FFFF;
	_ =	strace $0x90000049  }
0x2a: {  	s29 =	simm.s32 $0x9;
	_ =	strace $0x8000004B  }
0x2b: {  	_ =	swait.ge [sflag:s29], $0x1  }
0x2c: {  	[sflag:s29] =	ssyncadd.s32 $0xFFFFFFFF  }
0x2d: {  	_ =	strace $0x9000004B  }
0x2e: {  	_ =	sfence  }
0x2f: {  	s30 =	sld [smem:$0x0];
	_ =	sdelay $0x2  }
0x30: {  	s31 =	sshll.u32 s1, $0xD;
	s1 =	sshrl.u32 s1, $0x2  }
0x31: {  	s3 =	sand.u32 $0x4000, s31;
	s1 =	sadd.s32 s1, s30  }
0x32: {  	s0 =	sor.u32 s3, s0;
	s1 =	sshll.u32 s1, $0x11  }
0x33: {  	s0 =	sor.u32 s1, s0  }
0x34: {  	s0 =	sadd.s32 $0x8F2B, s0  }
0x35: {  	[sflag:s0] =	ssyncadd.remote.s32 $0x1  }
0x36: {  	_ =	sfence.sel $0xFFFF  }
0x37: {  	[dreg:$0x0] =	wrdreg $0xFFFFFFFF;
	(pc) =	sbr.abs _section_cstart, $3  }
0x38: {  	[dreg:$0x1] =	wrdreg $0xFFFFFFFF  }
0x39: {  	_ =	task.clear_ibuf [dreg:s7], $0x2FFFF;
	_ =	strace $0x9FFFFFFF  }
0x3a: {  	(tm) =	ssettm $0x7FFFFFFF  }
0x3b: {  	_ =	shalt  }
tec
execute0_lowered:
.L_overlay_start_1:
0x0: {  	(tag) =	ssettag $0x1  }
0x1: {  	s0 =	srdreg.scid  }
0x2: {  	s1 =	sshll.u32 s0, $0x4  }
0x3: {  	s6 =	rddreg [dreg:$0x0];
	s0 =	stileid.u32;
	s1 =	sand.u32 $0x10, s1  }
0x4: {  	s3 =	rddreg [dreg:$0x1];
	s1 =	sor.u32 s0, s1  }
0x5: {  	s5 =	simm.s32 $0x1;
	s31 =	simm.s32 $0x2;
	s2 =	sshll.u32 s1, $0x7  }
0x6: {  	s15 =	simm.s32 $0x0;
	s8 =	simm.s32 $0xC8000;
	s4 =	ssub.s32 $0x1000, s2  }
0x7: {  	s14 =	simm.s32 $0x0;
	s9 =	simm.s32 $0x0;
	s30 =	sand.u32 $0xF80, s4  }
0x8: {  	s10 =	simm.s32 $0x0;
	s11 =	simm.s32 $0x0;
	p0 =	sne.s32 s30, $0x0  }
.Ltmp0:
0x9: {  	s7 =	sshrl.u32 s4, $0xC;
	s5 =	simm.s32 @!p0 $0x0;
	(pc) =	sbr.rel .LBB1_1-.Ltmp0, $4  }
0xa: {  	s13 =	simm.s32 $0x0;
	s1 =	rddreg [dreg:$0x2];
	s5 =	sadd.s32 s5, s7  }
0xb: {  	_ =	strace $0x8000004A;
	s4 =	simm.s32 $0x1;
	s5 =	smul.u32 $0xC8, s5  }
0xc: {  	s6 =	sadd.s32 $0xC00, s6;
	s12 =	smov.u32 s2;
	[sflag:s4] =	ssyncpa.u1 $0x0  }
0xd: {  	[sflag:s31] =	ssyncpa.u1 $0x0;
	p0 =	por $0x0, $0x0;
	s7 =	sor.u32 $0x1, s5  }
.LBB1_4:
0xe: {  	s18 =	sshll.u32 s9, $0xC;
	s19 =	sand.u32 $0x78, s10;
	s20 =	sshll.u32 s10, $0x3  }
0xf: {  	s22 =	sshll.u32 s9, $0x7;
	p1 =	sgt.s32 s9, $0xC7;
	s25 =	sshra.s32 s9, $0x1F  }
0x10: {  	s23 =	smov.u32 s10;
	s24 =	sshra.s32 s10, $0x1F;
	s29 =	sand.u32 $0x7, s10  }
0x11: {  	s18 =	sand.u32 $0xFFFF8000, s18;
	s21 =	sand.u32 $0xFFFFFC00, s20;
	s20 =	sand.u32 $0xC00, s20  }
0x12: {  	s30 =	sand.u32 $0x380, s22;
	s22 =	sand.u32 s25, s9;
	s18 =	sadd.s32 s21, s18  }
0x13: {  	s19 =	sor.u32 s19, s20;
	s20 =	smov.u32 s9;
	s18 =	sshrl.u32 s18, $0xC  }
0x14: {  	s20 =	simm.s32 @!p1 $0xC7;
	p1 =	sgt.s32 s10, $0xF80;
	s31 =	smulhi.u32 $0x147AE15, s18  }
0x15: {  	s26 =	sand.u32 s24, s10;
	s20 =	ssub.s32 s20, s22;
	s23 =	simm.s32 @!p1 $0xF80  }
0x16: {  	s27 =	ssub.s32 $0xC8, s20;
	s22 =	ssub.s32 s23, s26;
	s21 =	smul.u32 $0xC8, s31  }
0x17: {  	s20 =	sadd.s32 $0xFFFFFF39, s20;
	s23 =	smul.u32 $0x1E, s27;
	s28 =	sadd.s32 $0xFFFFF080, s22  }
0x18: {  	p1 =	sgt.s32 s20, $0x0;
	s20 =	ssub.s32 $0x1000, s22;
	p2 =	sgt.s32 s28, $0x7F  }
0x19: {  	s19 =	sor.u32 s30, s19;
	s23 =	simm.s32 @p1 $0x0;
	s20 =	simm.s32 @p2 $0x0  }
0x1a: {  	s19 =	sshrl.u32 s19, $0x3;
	s18 =	ssub.s32 s18, s21;
	s20 =	smul.u32 s20, s23  }
0x1b: {  	s19 =	sadd.s32 s3, s19;
	s21 =	sshll.u32 s29, $0x12;
	s18 =	sshll.u32 s18, $0x9  }
0x1c: {  	[tilespmem:s17+$0x0 ss:$0x81] =	vst.msk $0xffff, v0;
	s31 =	sor.u32 $0x80, s21;
	s18 =	sadd.s32 s18, s19;
	s30 =	sand.u32 $0x3FFFFFFE, s20  }
0x1d: {  	[hbm4b:s18+s31] =	stream.strided.scatter [tilespmem:s16], [sflag:$0x2], s30, s8, s31, $0x20;
	[tilespmem:$0x4040] =	vst v63  }
.LBB1_5:
0x1e: {  	p1 =	slt.u32 s13, $0x2  }
0x1f: {  	s17 =	smov.u32 s15;
	p2 =	sgt.s32 @!p1 s15, $0xC7;
	s16 =	sshra.s32 @!p1 s15, $0x1F  }
0x20: {  	p3 =	sgt.s32 @!p1 s14, $0xF80;
	s18 =	sshra.s32 @!p1 s14, $0x1F;
	p2 =	por !p2, p1  }
0x21: {  	s15 =	sand.u32 @!p1 s16, s15;
	p3 =	por !p3, p1;
	s16 =	smov.u32 s14  }
0x22: {  	s14 =	sand.u32 @!p1 s18, s14;
	s17 =	simm.s32 @p2 $0xC7;
	s16 =	simm.s32 @p3 $0xF80  }
0x23: {  	s18 =	smov.u32 s12;
	s15 =	ssub.s32 @!p1 s17, s15;
	s14 =	ssub.s32 @!p1 s16, s14  }
0x24: {  	s16 =	sadd.s32 @!p1 $0xFFFFFF39, s15;
	s15 =	ssub.s32 @!p1 $0xC8, s15;
	s17 =	sadd.s32 @!p1 $0xFFFFF080, s14  }
0x25: {  	p2 =	sgt.s32 @!p1 s16, $0x0;
	s15 =	smul.u32 @!p1 $0x1E, s15;
	p3 =	sgt.s32 @!p1 s17, $0x7F  }
0x26: {  	s14 =	ssub.s32 @!p1 $0x1000, s14;
	p2 =	por !p2, p1;
	p3 =	por !p3, p1  }
0x27: {  	s16 =	sadd.s32 $0x1, s11;
	s15 =	simm.s32 @!p2 $0x0;
	s14 =	simm.s32 @!p3 $0x0  }
0x28: {  	p2 =	sgt.s32 s16, $0xC7;
	s14 =	smul.u32 @!p1 s14, s15;
	s15 =	sadd.s32 $0x1000, s12  }
0x29: {  	s18 =	smov.u32 @p2 s15  }
0x2a: {  	s16 =	simm.s32 @p2 $0x0;
	p2 =	sgt.s32 s18, $0xFFF  }
0x2b: {  	s18 =	smov.u32 @p2 s2;
	p2 =	sne.s32 s13, s7  }
.Ltmp1:
0x2c: {  	p0 =	por !p0, !p0;
	s17 =	simm.s32 @!p1 $0x2;
	(pc) =	sbr.rel @!p2 .LBB1_6-.Ltmp1, $4  }
0x2d: {  	s15 =	smov.u32 s9;
	s9 =	smov.u32 s11;
	s14 =	sand.u32 @!p1 $0x3FFFFFFE, s14  }
0x2e: {  	s11 =	smov.u32 s16;
	_ =	swait.ge @!p1 [sflag:s17], s14;
	s19 =	ssub.s32 @!p1 $0x0, s14  }
0x2f: {  	s14 =	smov.u32 s10;
	s13 =	sadd.s32 $0x1, s13;
	[sflag:s17] =	ssyncset.done @!p1 $0x0  }
0x30: {  	s10 =	smov.u32 s12;
	s12 =	smov.u32 s18;
	[sflag:s17] =	ssyncadd.s32 @!p1 s19  }
.LBB1_1:
0x31: {  	p1 =	sge.u32 s13, s5  }
0x32: {  	s16 =	sand.u32 @!p1 $0x1FFFFFF, s11  }
0x33: {  	s17 =	smulhi.u32 @!p1 $0x147AE15, s16;
	_ =	sdelay $0x1  }
0x34: {  	s17 =	smul.u32 @!p1 $0xC8, s17  }
0x35: {  	s18 =	sxor.u32 @!p1 $0xFFFFFFFF, s13;
	s19 =	smul.u32 @!p1 $0xC80, s12  }
0x36: {  	s31 =	sadd.s32 $0xFFFFFFFF, s13;
	s18 =	sshll.u32 @!p1 s18, $0xC;
	s16 =	ssub.s32 @!p1 s16, s17  }
0x37: {  	s17 =	sand.u32 @!p1 $0x1000, s18;
	s18 =	sadd.s32 @!p1 s6, s19;
	s16 =	sshll.u32 @!p1 s16, $0x4  }
0x38: {  	s19 =	simm.s32 @!p1 $0x6400;
	s16 =	sadd.s32 @!p1 s16, s18;
	s18 =	simm.s32 @!p1 $0x20  }
0x39: {  	[tilespmem:s17], [sflag:$0x1] =	stream.strided.gather @!p1 [hbm4b:s16+s18], $0x1000, s19, s18, $0x38;
	[tilespmem:$0x4040] =	vst v63  }
0x3a: {  	p1 =	sge.u32 s31, s5  }
.Ltmp2:
0x3b: {  	_ = 	snop;
	(pc) =	sbr.rel @p1 .LBB1_5-.Ltmp2, $1  }
0x3c: {  	_ =	sdelay $0x3  }
0x3d: {  	s16 =	simm.s32 $0x1  }
0x3e: {  	_ =	swait.ge [sflag:s4], $0x1000;
	s16 =	simm.s32 @!p0 $0x0  }
0x3f: {  	[sflag:s4] =	ssyncset.done $0x0;
	s17 =	sshll.u32 s16, $0xC  }
0x40: {  	[sflag:s4] =	ssyncadd.s32 $0xFFFFF000;
	s20 =	sor.u32 $0x10, s17  }
0x41: {  	s16 =	smul.u32 $0x4080, s16;
	v1 =	vld [tilespmem:s20+$0x0]  }
0x42: {  	s30 =	sand.u32 $0x1, s13;
	v0 =	vld [tilespmem:s20+$0xFFFFFFF0]  }
0x43: {  	s17 =	smul.u32 $0x4080, s30;
	s16 =	sshrl.u32 s16, $0x2  }
0x44: {  	s18 =	sor.u32 $0x2000, s16  }
0x45: {  	s31 =	sshrl.u32 s17, $0x2;
	s17 =	sadd.s32 $0x0, s18  }
0x46: {  	s19 =	simm.s32 $0x4;
	s20 =	sadd.s32 $0x20, s20;
	s16 =	sor.u32 $0x2000, s31;
	[tilespmem:s17+$0x810 ss:$0x81] =	vst.msk $0xffff, v1  }
.LBB1_3:
0x47: {  	v1 =	vld [tilespmem:s20+$0x0];
	p1 =	sne.s32 s19, $0x1FC;
	[tilespmem:s17+$0x0 ss:$0x81] =	vst.msk $0xffff, v0;
	s17 =	smov.u32 s19;
	s19 =	sadd.s32 $0x4, s19  }
.Ltmp3:
0x48: {  	v0 =	vld [tilespmem:s20+$0xFFFFFFF0];
	(pc) =	sbr.rel @p1 .LBB1_3-.Ltmp3, $4  }
0x49: {  	_ = 	snop  }
0x4a: {  	s17 =	sshra.s32 s17, $0x2  }
0x4b: {  	s17 =	sadd.s32 s17, s18  }
0x4c: {  	s20 =	sadd.s32 $0x20, s20;
	[tilespmem:s17+$0x810 ss:$0x81] =	vst.msk $0xffff, v1  }
.Ltmp4:
0x4d: {  	_ = 	snop;
	(pc) =	sbr.rel .LBB1_4-.Ltmp4, $1  }
0x4e: {  	_ =	sdelay $0x3  }
.LBB1_6:
0x4f: {  	_ =	sfence.sel $0x180000  }
0x50: {  	s2 =	simm.s32 $0x1;
	[bflag:$0x0] =	sbarrier.arrive $0xFFFF  }
0x51: {  	s31 =	simm.s32 $0x2;
	[sflag:s2] =	ssyncpa.u1 $0x1  }
0x52: {  	[sflag:s31] =	ssyncpa.u1 $0x1  }
0x53: {  	p0 =	sne.s32 s0, $0x0;
	_ =	strace $0x9000004A  }
0x54: {  	s0 =	sadd.s32 @!p0 $0x100000, s1;
	[bflag:$0x2] =	sbarrier.arrive $0xFFFF  }
0x55: {  	[sflag:s0] =	ssyncadd.tile.s32 @!p0 $0x1;
	_ =	shalt  }
.Lfunc_end1:
_tile_overlayer_lowered:
.L_overlay_start_2:
0x56: {  	(tag) =	ssettag $0x2  }
0x57: {  	s0 =	rddreg [dreg:$0x0];
	s2 =	stileid.u32  }
0x58: {  	s1 =	rddreg [dreg:$0x1];
	p0 =	sne.s32 s2, $0x0  }
0x59: {  	s3 =	rddreg [dreg:$0x2];
	[bflag:$0x3] =	sbarrier.arrive $0xFFFF;
	s2 =	simm.s32 @!p0 $0x1C01  }
0x5a: {  	[timem:s3], [sflag:s2] =	dma.local @!p0 [hbm:s0], s1  }
0x5b: {  	s0 =	simm.s32 @!p0 $0x1  }
0x5c: {  	_ =	swait.ge @!p0 [sflag:s0], s1  }
0x5d: {  	s1 =	ssub.s32 @!p0 $0x0, s1;
	[sflag:s0] =	ssyncset.done @!p0 $0x0  }
0x5e: {  	[sflag:s0] =	ssyncadd.s32 @!p0 s1  }
0x5f: {  	[bflag:$0x3] =	sbarrier.arrive $0xFFFF  }
0x60: {  	_ =	shalt  }

</sc_bundles>
